<compile_context>
chip_gen: v7x
topology: tpu7x:2x2x1
jax: 0.10.2.dev20260603
libtpu: 0.0.44.dev20260713+nightly
codegen_flags: <defaults>
</compile_context>

<pallas_src>
import functools

import jax
import jax.numpy as jnp
from jax import lax
from jax.experimental import pallas as pl
from jax.experimental.pallas import tpu as pltpu
from jax.experimental.pallas import tpu_sc as plsc

K = 8192
CODE_DIM = 256
B = 16
HW = 1024
N = B * HW


TM = 1024
GRID = N // TM


_SEG = (0, 2816, 5632, 8192)


def _argmax_body(x_ref, w_ref, idx_ref):
    x = x_ref[...].astype(jnp.bfloat16)
    w = w_ref[...]
    logits = lax.dot_general(
        x, w, (((1,), (1,)), ((), ())),
        preferred_element_type=jnp.float32,
    )

    lane = lax.broadcasted_iota(jnp.int32, (TM, 128), 1)

    def seg_max_arg(lo, hi):
        seg = logits[:, lo:hi]
        nch = (hi - lo) // 128
        acc_v = seg[:, 0:128]
        acc_c = jnp.zeros((TM, 128), jnp.int32)
        for c in range(1, nch):
            v = seg[:, c * 128:(c + 1) * 128]
            gt = v > acc_v
            acc_v = jnp.where(gt, v, acc_v)
            acc_c = jnp.where(gt, jnp.int32(c), acc_c)
        m = jnp.max(acc_v, axis=1, keepdims=True)
        kk = jnp.where(acc_v == m, acc_c * 128 + lane + lo, jnp.int32(K))
        idx = jnp.min(kk, axis=1)
        return m[:, 0], idx

    v0, i0 = seg_max_arg(_SEG[0], _SEG[1])
    v1, i1 = seg_max_arg(_SEG[1], _SEG[2])
    v2, i2 = seg_max_arg(_SEG[2], _SEG[3])
    acc_v = v0.astype(jnp.bfloat16).astype(jnp.float32)
    acc_i = i0
    w1 = v1 > acc_v
    acc_v = jnp.where(w1, v1.astype(jnp.bfloat16).astype(jnp.float32), acc_v)
    acc_i = jnp.where(w1, i1, acc_i)
    w2 = v2 > acc_v
    acc_i = jnp.where(w2, i2, acc_i)
    idx_ref[0, 0, :] = acc_i


def _compute_indices(n):
    grid = n // TM
    return pl.pallas_call(
        _argmax_body,
        grid=(grid,),
        in_specs=[
            pl.BlockSpec((TM, CODE_DIM), lambda i: (i, 0)),
            pl.BlockSpec((K, CODE_DIM), lambda i: (0, 0)),
        ],
        out_specs=pl.BlockSpec((1, 1, TM), lambda i: (i, 0, 0)),
        out_shape=jax.ShapeDtypeStruct((grid, 1, TM), jnp.int32),
    )



NC, NS = 2, 16
NW = NC * NS
B_PER_W = N // NW
CHUNK = 128
NCHUNK = B_PER_W // CHUNK


@functools.cache
def _gather(n):
    b_per_w = n // NW
    nchunk = b_per_w // CHUNK

    def body(idx_hbm, table_hbm, out_hbm,
             idx_v0, idx_v1, rows_v0, rows_v1, gs0, gs1, ss0, ss1):
        wid = lax.axis_index("s") * NC + lax.axis_index("c")
        base = wid * b_per_w
        idx_v = (idx_v0, idx_v1)
        rows_v = (rows_v0, rows_v1)
        gs = (gs0, gs1)
        ss = (ss0, ss1)
        pltpu.sync_copy(idx_hbm.at[pl.ds(base, CHUNK)], idx_v0)
        g0 = pltpu.async_copy(table_hbm.at[idx_v0], rows_v0, gs0)
        scat = [None, None]
        gath = [g0, None]
        for i in range(nchunk):
            b = i % 2
            nb = (i + 1) % 2
            if i + 1 < nchunk:
                off = base + (i + 1) * CHUNK
                if scat[nb] is not None:
                    scat[nb].wait()
                    scat[nb] = None
                pltpu.sync_copy(idx_hbm.at[pl.ds(off, CHUNK)], idx_v[nb])
                gath[nb] = pltpu.async_copy(table_hbm.at[idx_v[nb]], rows_v[nb], gs[nb])
            gath[b].wait()
            off = base + i * CHUNK
            scat[b] = pltpu.async_copy(rows_v[b], out_hbm.at[pl.ds(off, CHUNK)], ss[b])
        for s in scat:
            if s is not None:
                s.wait()

    return pl.kernel(
        body,
        out_type=jax.ShapeDtypeStruct((n, CODE_DIM), jnp.float32),
        mesh=plsc.VectorSubcoreMesh(core_axis_name="c", subcore_axis_name="s"),
        scratch_types=[
            pltpu.VMEM((CHUNK,), jnp.int32),
            pltpu.VMEM((CHUNK,), jnp.int32),
            pltpu.VMEM((CHUNK, CODE_DIM), jnp.float32),
            pltpu.VMEM((CHUNK, CODE_DIM), jnp.float32),
            pltpu.SemaphoreType.DMA,
            pltpu.SemaphoreType.DMA,
            pltpu.SemaphoreType.DMA,
            pltpu.SemaphoreType.DMA,
        ],
    )


def kernel(inputs, W):
    x = inputs.reshape(N, CODE_DIM)
    w_bf = W.astype(jnp.bfloat16)
    idx = _compute_indices(N)(x, w_bf).reshape(N)
    embed = _gather(N)(idx, W)
    return embed.reshape(B, HW, CODE_DIM)

# --- scband reference (transcript-rebuilt; emitter-appended) ---
"""Pipeline reference for scband-soft-code-19731079757923 (READ-ONLY COPY).

The authoritative reference and input builder live on the scoring server;
editing this copy changes nothing except your own understanding.
"""

import jax, jax.numpy as jnp
import numpy as np

K = 8192
CODE_DIM = 256
B = 16
HW = 1024


def setup_inputs(seed: int = 0) -> dict:
    key = jax.random.key(seed)
    k1, k2 = jax.random.split(key)
    inputs = jax.random.normal(k1, (B, HW, CODE_DIM), dtype=jnp.float32)
    # nn.Embedding weight initialized uniform(-1/K, 1/K)
    W = jax.random.uniform(k2, (K, CODE_DIM), dtype=jnp.float32, minval=-1.0 / K, maxval=1.0 / K)
    return {"inputs": inputs, "W": W}


def reference(inputs, W):
    # softmax_for_indexing: F.linear(inputs, embedding.weight) -> logits [B, HW, K]
    prob = jnp.einsum('bld,kd->blk', inputs, W)
    # prob.max(dim=-1)[1] -> argmax indices
    indices = jnp.argmax(prob, axis=-1)
    # Code.forward: embedding lookup
    embed = jnp.take(W, indices, axis=0)
    return embed

if __name__ == "__main__":
    import jax
    _d = setup_inputs()
    print(jax.jit(kernel)(*tuple(_d.values())))

</pallas_src>

<mosaic_0001>
#map = affine_map<(d0, d1) -> (0)>
#map1 = affine_map<(d0, d1) -> (0, 0)>
module attributes {stable_mosaic.version = 14 : i64} {
  func.func @body(%arg0: i32, %arg1: i32, %arg2: memref<16384xi32, #tpu.memory_space<hbm>>, %arg3: memref<8192x256xf32, #tpu.memory_space<hbm>>, %arg4: memref<16384x256xf32, #tpu.memory_space<hbm>>, %arg5: memref<128xi32, #tpu.memory_space<vmem>>, %arg6: memref<128xi32, #tpu.memory_space<vmem>>, %arg7: memref<128x256xf32, #tpu.memory_space<vmem>>, %arg8: memref<128x256xf32, #tpu.memory_space<vmem>>, %arg9: memref<!tpu.dma_semaphore, #tpu.memory_space<semaphore_mem>>, %arg10: memref<!tpu.dma_semaphore, #tpu.memory_space<semaphore_mem>>, %arg11: memref<!tpu.dma_semaphore, #tpu.memory_space<semaphore_mem>>, %arg12: memref<!tpu.dma_semaphore, #tpu.memory_space<semaphore_mem>>) attributes {dimension_semantics = [#tpu.dimension_semantics<core_parallel>, #tpu.dimension_semantics<subcore_parallel>], iteration_bounds = array<i64: 2, 16>, scalar_prefetch = 0 : i64, scratch_operands = 8 : i64, tpu.core_type = #tpu.core_type<sc_vector_subcore>, window_params = [{transform_indices = #map}, {transform_indices = #map1}, {transform_indices = #map1}]} {
    %mul3A = arith.constant 2 : i32
    %mul3A_0 = arith.muli %arg1, %mul3A : i32
    %add3A = arith.addi %mul3A_0, %arg0 : i32
    %mul3A_1 = arith.constant 512 : i32
    %mul3A_2 = arith.muli %add3A, %mul3A_1 : i32
    "tpu.region"() ({
      %run_scoped3A = tpu.sem_alloc : memref<!tpu.dma_semaphore, #tpu.memory_space<semaphore_mem>>
      %dma_start3A_71 = tpu.memref_slice %arg2[%mul3A_2] : memref<16384xi32, #tpu.memory_space<hbm>> -> memref<128xi32, #tpu.memory_space<hbm>>
      %dma_start3A_72 = tpu.memref_slice %arg2[%mul3A_2] : memref<16384xi32, #tpu.memory_space<hbm>> -> memref<128xi32, #tpu.memory_space<hbm>>
      tpu.enqueue_dma source(%dma_start3A_72 : memref<128xi32, #tpu.memory_space<hbm>>) target(%arg5 : memref<128xi32, #tpu.memory_space<vmem>>) target_semaphore(%run_scoped3A : memref<!tpu.dma_semaphore, #tpu.memory_space<semaphore_mem>>)
      %dma_wait3A_73 = tpu.memref_slice %arg2[%mul3A_2] : memref<16384xi32, #tpu.memory_space<hbm>> -> memref<128xi32, #tpu.memory_space<hbm>>
      %dma_wait3A_74 = tpu.memref_slice %arg2[%mul3A_2] : memref<16384xi32, #tpu.memory_space<hbm>> -> memref<128xi32, #tpu.memory_space<hbm>>
      tpu.wait_dma2 semaphore(%run_scoped3A : memref<!tpu.dma_semaphore, #tpu.memory_space<semaphore_mem>>) src(%dma_wait3A_74 : memref<128xi32, #tpu.memory_space<hbm>>) dst(%arg5 : memref<128xi32, #tpu.memory_space<vmem>>)
      tpu.yield
    }) : () -> ()
    %dma_start3A = arith.constant 0 : i32
    %dma_start3A_3 = arith.constant 0 : i32
    %dma_start3A_4 = tpu.memref_slice %arg3[%dma_start3A, %dma_start3A_3] : memref<8192x256xf32, #tpu.memory_space<hbm>> -> memref<8192x256xf32, #tpu.memory_space<hbm>>
    tpu.enqueue_indirect_dma source(%dma_start3A_4 : memref<8192x256xf32, #tpu.memory_space<hbm>>) target(%arg7 : memref<128x256xf32, #tpu.memory_space<vmem>>) offsets(%arg5 : memref<128xi32, #tpu.memory_space<vmem>>) semaphore(%arg9 : memref<!tpu.dma_semaphore, #tpu.memory_space<semaphore_mem>>)
    %add3A_5 = arith.constant 128 : i32
    %add3A_6 = arith.addi %mul3A_2, %add3A_5 : i32
    "tpu.region"() ({
      %run_scoped3A = tpu.sem_alloc : memref<!tpu.dma_semaphore, #tpu.memory_space<semaphore_mem>>
      %dma_start3A_71 = tpu.memref_slice %arg2[%add3A_6] : memref<16384xi32, #tpu.memory_space<hbm>> -> memref<128xi32, #tpu.memory_space<hbm>>
      %dma_start3A_72 = tpu.memref_slice %arg2[%add3A_6] : memref<16384xi32, #tpu.memory_space<hbm>> -> memref<128xi32, #tpu.memory_space<hbm>>
      tpu.enqueue_dma source(%dma_start3A_72 : memref<128xi32, #tpu.memory_space<hbm>>) target(%arg6 : memref<128xi32, #tpu.memory_space<vmem>>) target_semaphore(%run_scoped3A : memref<!tpu.dma_semaphore, #tpu.memory_space<semaphore_mem>>)
      %dma_wait3A_73 = tpu.memref_slice %arg2[%add3A_6] : memref<16384xi32, #tpu.memory_space<hbm>> -> memref<128xi32, #tpu.memory_space<hbm>>
      %dma_wait3A_74 = tpu.memref_slice %arg2[%add3A_6] : memref<16384xi32, #tpu.memory_space<hbm>> -> memref<128xi32, #tpu.memory_space<hbm>>
      tpu.wait_dma2 semaphore(%run_scoped3A : memref<!tpu.dma_semaphore, #tpu.memory_space<semaphore_mem>>) src(%dma_wait3A_74 : memref<128xi32, #tpu.memory_space<hbm>>) dst(%arg6 : memref<128xi32, #tpu.memory_space<vmem>>)
      tpu.yield
    }) : () -> ()
    %dma_start3A_7 = arith.constant 0 : i32
    %dma_start3A_8 = arith.constant 0 : i32
    %dma_start3A_9 = tpu.memref_slice %arg3[%dma_start3A_7, %dma_start3A_8] : memref<8192x256xf32, #tpu.memory_space<hbm>> -> memref<8192x256xf32, #tpu.memory_space<hbm>>
    tpu.enqueue_indirect_dma source(%dma_start3A_9 : memref<8192x256xf32, #tpu.memory_space<hbm>>) target(%arg8 : memref<128x256xf32, #tpu.memory_space<vmem>>) offsets(%arg6 : memref<128xi32, #tpu.memory_space<vmem>>) semaphore(%arg10 : memref<!tpu.dma_semaphore, #tpu.memory_space<semaphore_mem>>)
    %dma_wait3A = arith.constant 0 : i32
    %dma_wait3A_10 = arith.constant 0 : i32
    %dma_wait3A_11 = tpu.memref_slice %arg3[%dma_wait3A, %dma_wait3A_10] : memref<8192x256xf32, #tpu.memory_space<hbm>> -> memref<8192x256xf32, #tpu.memory_space<hbm>>
    tpu.wait_indirect_dma semaphore(%arg9 : memref<!tpu.dma_semaphore, #tpu.memory_space<semaphore_mem>>) src(%dma_wait3A_11 : memref<8192x256xf32, #tpu.memory_space<hbm>>) dst(%arg7 : memref<128x256xf32, #tpu.memory_space<vmem>>)
    %add3A_12 = arith.constant 0 : i32
    %add3A_13 = arith.addi %mul3A_2, %add3A_12 : i32
    %dma_start3A_14 = arith.constant 0 : i32
    %dma_start3A_15 = tpu.memref_slice %arg4[%add3A_13, %dma_start3A_14] : memref<16384x256xf32, #tpu.memory_space<hbm>> -> memref<128x256xf32, #tpu.memory_space<hbm>>
    %dma_start3A_16 = arith.constant 0 : i32
    %dma_start3A_17 = tpu.memref_slice %arg4[%add3A_13, %dma_start3A_16] : memref<16384x256xf32, #tpu.memory_space<hbm>> -> memref<128x256xf32, #tpu.memory_space<hbm>>
    tpu.enqueue_dma source(%arg7 : memref<128x256xf32, #tpu.memory_space<vmem>>) target(%dma_start3A_17 : memref<128x256xf32, #tpu.memory_space<hbm>>) target_semaphore(%arg11 : memref<!tpu.dma_semaphore, #tpu.memory_space<semaphore_mem>>)
    %add3A_18 = arith.constant 256 : i32
    %add3A_19 = arith.addi %mul3A_2, %add3A_18 : i32
    %dma_wait3A_20 = arith.constant 0 : i32
    %dma_wait3A_21 = tpu.memref_slice %arg4[%add3A_13, %dma_wait3A_20] : memref<16384x256xf32, #tpu.memory_space<hbm>> -> memref<128x256xf32, #tpu.memory_space<hbm>>
    %dma_wait3A_22 = arith.constant 0 : i32
    %dma_wait3A_23 = tpu.memref_slice %arg4[%add3A_13, %dma_wait3A_22] : memref<16384x256xf32, #tpu.memory_space<hbm>> -> memref<128x256xf32, #tpu.memory_space<hbm>>
    tpu.wait_dma2 semaphore(%arg11 : memref<!tpu.dma_semaphore, #tpu.memory_space<semaphore_mem>>) src(%arg7 : memref<128x256xf32, #tpu.memory_space<vmem>>) dst(%dma_wait3A_23 : memref<128x256xf32, #tpu.memory_space<hbm>>)
    "tpu.region"() ({
      %run_scoped3A = tpu.sem_alloc : memref<!tpu.dma_semaphore, #tpu.memory_space<semaphore_mem>>
      %dma_start3A_71 = tpu.memref_slice %arg2[%add3A_19] : memref<16384xi32, #tpu.memory_space<hbm>> -> memref<128xi32, #tpu.memory_space<hbm>>
      %dma_start3A_72 = tpu.memref_slice %arg2[%add3A_19] : memref<16384xi32, #tpu.memory_space<hbm>> -> memref<128xi32, #tpu.memory_space<hbm>>
      tpu.enqueue_dma source(%dma_start3A_72 : memref<128xi32, #tpu.memory_space<hbm>>) target(%arg5 : memref<128xi32, #tpu.memory_space<vmem>>) target_semaphore(%run_scoped3A : memref<!tpu.dma_semaphore, #tpu.memory_space<semaphore_mem>>)
      %dma_wait3A_73 = tpu.memref_slice %arg2[%add3A_19] : memref<16384xi32, #tpu.memory_space<hbm>> -> memref<128xi32, #tpu.memory_space<hbm>>
      %dma_wait3A_74 = tpu.memref_slice %arg2[%add3A_19] : memref<16384xi32, #tpu.memory_space<hbm>> -> memref<128xi32, #tpu.memory_space<hbm>>
      tpu.wait_dma2 semaphore(%run_scoped3A : memref<!tpu.dma_semaphore, #tpu.memory_space<semaphore_mem>>) src(%dma_wait3A_74 : memref<128xi32, #tpu.memory_space<hbm>>) dst(%arg5 : memref<128xi32, #tpu.memory_space<vmem>>)
      tpu.yield
    }) : () -> ()
    %dma_start3A_24 = arith.constant 0 : i32
    %dma_start3A_25 = arith.constant 0 : i32
    %dma_start3A_26 = tpu.memref_slice %arg3[%dma_start3A_24, %dma_start3A_25] : memref<8192x256xf32, #tpu.memory_space<hbm>> -> memref<8192x256xf32, #tpu.memory_space<hbm>>
    tpu.enqueue_indirect_dma source(%dma_start3A_26 : memref<8192x256xf32, #tpu.memory_space<hbm>>) target(%arg7 : memref<128x256xf32, #tpu.memory_space<vmem>>) offsets(%arg5 : memref<128xi32, #tpu.memory_space<vmem>>) semaphore(%arg9 : memref<!tpu.dma_semaphore, #tpu.memory_space<semaphore_mem>>)
    %dma_wait3A_27 = arith.constant 0 : i32
    %dma_wait3A_28 = arith.constant 0 : i32
    %dma_wait3A_29 = tpu.memref_slice %arg3[%dma_wait3A_27, %dma_wait3A_28] : memref<8192x256xf32, #tpu.memory_space<hbm>> -> memref<8192x256xf32, #tpu.memory_space<hbm>>
    tpu.wait_indirect_dma semaphore(%arg10 : memref<!tpu.dma_semaphore, #tpu.memory_space<semaphore_mem>>) src(%dma_wait3A_29 : memref<8192x256xf32, #tpu.memory_space<hbm>>) dst(%arg8 : memref<128x256xf32, #tpu.memory_space<vmem>>)
    %add3A_30 = arith.constant 128 : i32
    %add3A_31 = arith.addi %mul3A_2, %add3A_30 : i32
    %dma_start3A_32 = arith.constant 0 : i32
    %dma_start3A_33 = tpu.memref_slice %arg4[%add3A_31, %dma_start3A_32] : memref<16384x256xf32, #tpu.memory_space<hbm>> -> memref<128x256xf32, #tpu.memory_space<hbm>>
    %dma_start3A_34 = arith.constant 0 : i32
    %dma_start3A_35 = tpu.memref_slice %arg4[%add3A_31, %dma_start3A_34] : memref<16384x256xf32, #tpu.memory_space<hbm>> -> memref<128x256xf32, #tpu.memory_space<hbm>>
    tpu.enqueue_dma source(%arg8 : memref<128x256xf32, #tpu.memory_space<vmem>>) target(%dma_start3A_35 : memref<128x256xf32, #tpu.memory_space<hbm>>) target_semaphore(%arg12 : memref<!tpu.dma_semaphore, #tpu.memory_space<semaphore_mem>>)
    %add3A_36 = arith.constant 384 : i32
    %add3A_37 = arith.addi %mul3A_2, %add3A_36 : i32
    %dma_wait3A_38 = arith.constant 0 : i32
    %dma_wait3A_39 = tpu.memref_slice %arg4[%add3A_31, %dma_wait3A_38] : memref<16384x256xf32, #tpu.memory_space<hbm>> -> memref<128x256xf32, #tpu.memory_space<hbm>>
    %dma_wait3A_40 = arith.constant 0 : i32
    %dma_wait3A_41 = tpu.memref_slice %arg4[%add3A_31, %dma_wait3A_40] : memref<16384x256xf32, #tpu.memory_space<hbm>> -> memref<128x256xf32, #tpu.memory_space<hbm>>
    tpu.wait_dma2 semaphore(%arg12 : memref<!tpu.dma_semaphore, #tpu.memory_space<semaphore_mem>>) src(%arg8 : memref<128x256xf32, #tpu.memory_space<vmem>>) dst(%dma_wait3A_41 : memref<128x256xf32, #tpu.memory_space<hbm>>)
    "tpu.region"() ({
      %run_scoped3A = tpu.sem_alloc : memref<!tpu.dma_semaphore, #tpu.memory_space<semaphore_mem>>
      %dma_start3A_71 = tpu.memref_slice %arg2[%add3A_37] : memref<16384xi32, #tpu.memory_space<hbm>> -> memref<128xi32, #tpu.memory_space<hbm>>
      %dma_start3A_72 = tpu.memref_slice %arg2[%add3A_37] : memref<16384xi32, #tpu.memory_space<hbm>> -> memref<128xi32, #tpu.memory_space<hbm>>
      tpu.enqueue_dma source(%dma_start3A_72 : memref<128xi32, #tpu.memory_space<hbm>>) target(%arg6 : memref<128xi32, #tpu.memory_space<vmem>>) target_semaphore(%run_scoped3A : memref<!tpu.dma_semaphore, #tpu.memory_space<semaphore_mem>>)
      %dma_wait3A_73 = tpu.memref_slice %arg2[%add3A_37] : memref<16384xi32, #tpu.memory_space<hbm>> -> memref<128xi32, #tpu.memory_space<hbm>>
      %dma_wait3A_74 = tpu.memref_slice %arg2[%add3A_37] : memref<16384xi32, #tpu.memory_space<hbm>> -> memref<128xi32, #tpu.memory_space<hbm>>
      tpu.wait_dma2 semaphore(%run_scoped3A : memref<!tpu.dma_semaphore, #tpu.memory_space<semaphore_mem>>) src(%dma_wait3A_74 : memref<128xi32, #tpu.memory_space<hbm>>) dst(%arg6 : memref<128xi32, #tpu.memory_space<vmem>>)
      tpu.yield
    }) : () -> ()
    %dma_start3A_42 = arith.constant 0 : i32
    %dma_start3A_43 = arith.constant 0 : i32
    %dma_start3A_44 = tpu.memref_slice %arg3[%dma_start3A_42, %dma_start3A_43] : memref<8192x256xf32, #tpu.memory_space<hbm>> -> memref<8192x256xf32, #tpu.memory_space<hbm>>
    tpu.enqueue_indirect_dma source(%dma_start3A_44 : memref<8192x256xf32, #tpu.memory_space<hbm>>) target(%arg8 : memref<128x256xf32, #tpu.memory_space<vmem>>) offsets(%arg6 : memref<128xi32, #tpu.memory_space<vmem>>) semaphore(%arg10 : memref<!tpu.dma_semaphore, #tpu.memory_space<semaphore_mem>>)
    %dma_wait3A_45 = arith.constant 0 : i32
    %dma_wait3A_46 = arith.constant 0 : i32
    %dma_wait3A_47 = tpu.memref_slice %arg3[%dma_wait3A_45, %dma_wait3A_46] : memref<8192x256xf32, #tpu.memory_space<hbm>> -> memref<8192x256xf32, #tpu.memory_space<hbm>>
    tpu.wait_indirect_dma semaphore(%arg9 : memref<!tpu.dma_semaphore, #tpu.memory_space<semaphore_mem>>) src(%dma_wait3A_47 : memref<8192x256xf32, #tpu.memory_space<hbm>>) dst(%arg7 : memref<128x256xf32, #tpu.memory_space<vmem>>)
    %add3A_48 = arith.constant 256 : i32
    %add3A_49 = arith.addi %mul3A_2, %add3A_48 : i32
    %dma_start3A_50 = arith.constant 0 : i32
    %dma_start3A_51 = tpu.memref_slice %arg4[%add3A_49, %dma_start3A_50] : memref<16384x256xf32, #tpu.memory_space<hbm>> -> memref<128x256xf32, #tpu.memory_space<hbm>>
    %dma_start3A_52 = arith.constant 0 : i32
    %dma_start3A_53 = tpu.memref_slice %arg4[%add3A_49, %dma_start3A_52] : memref<16384x256xf32, #tpu.memory_space<hbm>> -> memref<128x256xf32, #tpu.memory_space<hbm>>
    tpu.enqueue_dma source(%arg7 : memref<128x256xf32, #tpu.memory_space<vmem>>) target(%dma_start3A_53 : memref<128x256xf32, #tpu.memory_space<hbm>>) target_semaphore(%arg11 : memref<!tpu.dma_semaphore, #tpu.memory_space<semaphore_mem>>)
    %dma_wait3A_54 = arith.constant 0 : i32
    %dma_wait3A_55 = arith.constant 0 : i32
    %dma_wait3A_56 = tpu.memref_slice %arg3[%dma_wait3A_54, %dma_wait3A_55] : memref<8192x256xf32, #tpu.memory_space<hbm>> -> memref<8192x256xf32, #tpu.memory_space<hbm>>
    tpu.wait_indirect_dma semaphore(%arg10 : memref<!tpu.dma_semaphore, #tpu.memory_space<semaphore_mem>>) src(%dma_wait3A_56 : memref<8192x256xf32, #tpu.memory_space<hbm>>) dst(%arg8 : memref<128x256xf32, #tpu.memory_space<vmem>>)
    %add3A_57 = arith.constant 384 : i32
    %add3A_58 = arith.addi %mul3A_2, %add3A_57 : i32
    %dma_start3A_59 = arith.constant 0 : i32
    %dma_start3A_60 = tpu.memref_slice %arg4[%add3A_58, %dma_start3A_59] : memref<16384x256xf32, #tpu.memory_space<hbm>> -> memref<128x256xf32, #tpu.memory_space<hbm>>
    %dma_start3A_61 = arith.constant 0 : i32
    %dma_start3A_62 = tpu.memref_slice %arg4[%add3A_58, %dma_start3A_61] : memref<16384x256xf32, #tpu.memory_space<hbm>> -> memref<128x256xf32, #tpu.memory_space<hbm>>
    tpu.enqueue_dma source(%arg8 : memref<128x256xf32, #tpu.memory_space<vmem>>) target(%dma_start3A_62 : memref<128x256xf32, #tpu.memory_space<hbm>>) target_semaphore(%arg12 : memref<!tpu.dma_semaphore, #tpu.memory_space<semaphore_mem>>)
    %dma_wait3A_63 = arith.constant 0 : i32
    %dma_wait3A_64 = tpu.memref_slice %arg4[%add3A_49, %dma_wait3A_63] : memref<16384x256xf32, #tpu.memory_space<hbm>> -> memref<128x256xf32, #tpu.memory_space<hbm>>
    %dma_wait3A_65 = arith.constant 0 : i32
    %dma_wait3A_66 = tpu.memref_slice %arg4[%add3A_49, %dma_wait3A_65] : memref<16384x256xf32, #tpu.memory_space<hbm>> -> memref<128x256xf32, #tpu.memory_space<hbm>>
    tpu.wait_dma2 semaphore(%arg11 : memref<!tpu.dma_semaphore, #tpu.memory_space<semaphore_mem>>) src(%arg7 : memref<128x256xf32, #tpu.memory_space<vmem>>) dst(%dma_wait3A_66 : memref<128x256xf32, #tpu.memory_space<hbm>>)
    %dma_wait3A_67 = arith.constant 0 : i32
    %dma_wait3A_68 = tpu.memref_slice %arg4[%add3A_58, %dma_wait3A_67] : memref<16384x256xf32, #tpu.memory_space<hbm>> -> memref<128x256xf32, #tpu.memory_space<hbm>>
    %dma_wait3A_69 = arith.constant 0 : i32
    %dma_wait3A_70 = tpu.memref_slice %arg4[%add3A_58, %dma_wait3A_69] : memref<16384x256xf32, #tpu.memory_space<hbm>> -> memref<128x256xf32, #tpu.memory_space<hbm>>
    tpu.wait_dma2 semaphore(%arg12 : memref<!tpu.dma_semaphore, #tpu.memory_space<semaphore_mem>>) src(%arg8 : memref<128x256xf32, #tpu.memory_space<vmem>>) dst(%dma_wait3A_70 : memref<128x256xf32, #tpu.memory_space<hbm>>)
    return
  }
}

module attributes {stable_mosaic.version = 14 : i64} {
  func.func @_argmax_body(%arg0: i32, %arg1: memref<1024x256xf32, #tpu.memory_space<vmem>>, %arg2: memref<8192x256xbf16, #tpu.memory_space<vmem>>, %arg3: memref<1x1x1024xi32, #tpu.memory_space<vmem>>) attributes {dimension_semantics = [#tpu.dimension_semantics<arbitrary>], iteration_bounds = array<i64: 16>, scalar_prefetch = 0 : i64, scratch_operands = 0 : i64, tpu.core_type = #tpu.core_type<tc>, window_params = [{transform_indices = @transform_0, window_bounds = array<i64: 1024, 256>}, {pipeline_mode = #tpu.pipeline_mode<synchronous>, transform_indices = @transform_1, window_bounds = array<i64: 8192, 256>}, {transform_indices = @transform_2, window_bounds = array<i64: 1, 1, 1024>}]} {
    %get3A = arith.constant 0 : index
    %get3A_0 = arith.constant 0 : index
    %get3A_1 = vector.load %arg1[%get3A, %get3A_0] : memref<1024x256xf32, #tpu.memory_space<vmem>>, vector<1024x256xf32>
    %convert_element_type3A = arith.truncf %get3A_1 : vector<1024x256xf32> to vector<1024x256xbf16>
    %get3A_2 = arith.constant 0 : index
    %get3A_3 = arith.constant 0 : index
    %get3A_4 = vector.load %arg2[%get3A_2, %get3A_3] : memref<8192x256xbf16, #tpu.memory_space<vmem>>, vector<8192x256xbf16>
    %dot_general3A = arith.constant dense<0.000000e+00> : vector<1024x8192xf32>
    %dot_general3A_5 = tpu.matmul %convert_element_type3A, %get3A_4, %dot_general3A {dimension_numbers = #tpu.dot_dimension_numbers<[1], [1], [0], [0], [0, 0, 1, 0], [], []>, transpose_lhs_hint = false} : vector<1024x256xbf16>, vector<8192x256xbf16>, vector<1024x8192xf32> -> vector<1024x8192xf32>
    %iota3A = tpu.iota {dimensions = array<i32: 1>} : vector<1024x128xi32>
    %slice3A = vector.extract_strided_slice %dot_general3A_5 {offsets = [0, 0], sizes = [1024, 2816], strides = [1, 1]} : vector<1024x8192xf32> to vector<1024x2816xf32>
    %slice3A_6 = vector.extract_strided_slice %slice3A {offsets = [0, 0], sizes = [1024, 128], strides = [1, 1]} : vector<1024x2816xf32> to vector<1024x128xf32>
    %broadcast_in_dim3A = arith.constant 0 : i32
    %broadcast_in_dim3A_7 = vector.broadcast %broadcast_in_dim3A : i32 to vector<1024x128xi32>
    %slice3A_8 = vector.extract_strided_slice %slice3A {offsets = [0, 128], sizes = [1024, 128], strides = [1, 1]} : vector<1024x2816xf32> to vector<1024x128xf32>
    %gt3A = arith.cmpf ogt, %slice3A_8, %slice3A_6 : vector<1024x128xf32>
    %select_n3A = arith.select %gt3A, %slice3A_8, %slice3A_6 : vector<1024x128xi1>, vector<1024x128xf32>
    %jit3A = arith.constant 1 : i32
    %broadcast_in_dim3A_9 = vector.broadcast %jit3A : i32 to vector<1024x128xi32>
    %select_n3A_10 = arith.select %gt3A, %broadcast_in_dim3A_9, %broadcast_in_dim3A_7 : vector<1024x128xi1>, vector<1024x128xi32>
    %slice3A_11 = vector.extract_strided_slice %slice3A {offsets = [0, 256], sizes = [1024, 128], strides = [1, 1]} : vector<1024x2816xf32> to vector<1024x128xf32>
    %gt3A_12 = arith.cmpf ogt, %slice3A_11, %select_n3A : vector<1024x128xf32>
    %select_n3A_13 = arith.select %gt3A_12, %slice3A_11, %select_n3A : vector<1024x128xi1>, vector<1024x128xf32>
    %jit3A_14 = arith.constant 2 : i32
    %broadcast_in_dim3A_15 = vector.broadcast %jit3A_14 : i32 to vector<1024x128xi32>
    %select_n3A_16 = arith.select %gt3A_12, %broadcast_in_dim3A_15, %select_n3A_10 : vector<1024x128xi1>, vector<1024x128xi32>
    %slice3A_17 = vector.extract_strided_slice %slice3A {offsets = [0, 384], sizes = [1024, 128], strides = [1, 1]} : vector<1024x2816xf32> to vector<1024x128xf32>
    %gt3A_18 = arith.cmpf ogt, %slice3A_17, %select_n3A_13 : vector<1024x128xf32>
    %select_n3A_19 = arith.select %gt3A_18, %slice3A_17, %select_n3A_13 : vector<1024x128xi1>, vector<1024x128xf32>
    %jit3A_20 = arith.constant 3 : i32
    %broadcast_in_dim3A_21 = vector.broadcast %jit3A_20 : i32 to vector<1024x128xi32>
    %select_n3A_22 = arith.select %gt3A_18, %broadcast_in_dim3A_21, %select_n3A_16 : vector<1024x128xi1>, vector<1024x128xi32>
    %slice3A_23 = vector.extract_strided_slice %slice3A {offsets = [0, 512], sizes = [1024, 128], strides = [1, 1]} : vector<1024x2816xf32> to vector<1024x128xf32>
    %gt3A_24 = arith.cmpf ogt, %slice3A_23, %select_n3A_19 : vector<1024x128xf32>
    %select_n3A_25 = arith.select %gt3A_24, %slice3A_23, %select_n3A_19 : vector<1024x128xi1>, vector<1024x128xf32>
    %jit3A_26 = arith.constant 4 : i32
    %broadcast_in_dim3A_27 = vector.broadcast %jit3A_26 : i32 to vector<1024x128xi32>
    %select_n3A_28 = arith.select %gt3A_24, %broadcast_in_dim3A_27, %select_n3A_22 : vector<1024x128xi1>, vector<1024x128xi32>
    %slice3A_29 = vector.extract_strided_slice %slice3A {offsets = [0, 640], sizes = [1024, 128], strides = [1, 1]} : vector<1024x2816xf32> to vector<1024x128xf32>
    %gt3A_30 = arith.cmpf ogt, %slice3A_29, %select_n3A_25 : vector<1024x128xf32>
    %select_n3A_31 = arith.select %gt3A_30, %slice3A_29, %select_n3A_25 : vector<1024x128xi1>, vector<1024x128xf32>
    %jit3A_32 = arith.constant 5 : i32
    %broadcast_in_dim3A_33 = vector.broadcast %jit3A_32 : i32 to vector<1024x128xi32>
    %select_n3A_34 = arith.select %gt3A_30, %broadcast_in_dim3A_33, %select_n3A_28 : vector<1024x128xi1>, vector<1024x128xi32>
    %slice3A_35 = vector.extract_strided_slice %slice3A {offsets = [0, 768], sizes = [1024, 128], strides = [1, 1]} : vector<1024x2816xf32> to vector<1024x128xf32>
    %gt3A_36 = arith.cmpf ogt, %slice3A_35, %select_n3A_31 : vector<1024x128xf32>
    %select_n3A_37 = arith.select %gt3A_36, %slice3A_35, %select_n3A_31 : vector<1024x128xi1>, vector<1024x128xf32>
    %jit3A_38 = arith.constant 6 : i32
    %broadcast_in_dim3A_39 = vector.broadcast %jit3A_38 : i32 to vector<1024x128xi32>
    %select_n3A_40 = arith.select %gt3A_36, %broadcast_in_dim3A_39, %select_n3A_34 : vector<1024x128xi1>, vector<1024x128xi32>
    %slice3A_41 = vector.extract_strided_slice %slice3A {offsets = [0, 896], sizes = [1024, 128], strides = [1, 1]} : vector<1024x2816xf32> to vector<1024x128xf32>
    %gt3A_42 = arith.cmpf ogt, %slice3A_41, %select_n3A_37 : vector<1024x128xf32>
    %select_n3A_43 = arith.select %gt3A_42, %slice3A_41, %select_n3A_37 : vector<1024x128xi1>, vector<1024x128xf32>
    %jit3A_44 = arith.constant 7 : i32
    %broadcast_in_dim3A_45 = vector.broadcast %jit3A_44 : i32 to vector<1024x128xi32>
    %select_n3A_46 = arith.select %gt3A_42, %broadcast_in_dim3A_45, %select_n3A_40 : vector<1024x128xi1>, vector<1024x128xi32>
    %slice3A_47 = vector.extract_strided_slice %slice3A {offsets = [0, 1024], sizes = [1024, 128], strides = [1, 1]} : vector<1024x2816xf32> to vector<1024x128xf32>
    %gt3A_48 = arith.cmpf ogt, %slice3A_47, %select_n3A_43 : vector<1024x128xf32>
    %select_n3A_49 = arith.select %gt3A_48, %slice3A_47, %select_n3A_43 : vector<1024x128xi1>, vector<1024x128xf32>
    %jit3A_50 = arith.constant 8 : i32
    %broadcast_in_dim3A_51 = vector.broadcast %jit3A_50 : i32 to vector<1024x128xi32>
    %select_n3A_52 = arith.select %gt3A_48, %broadcast_in_dim3A_51, %select_n3A_46 : vector<1024x128xi1>, vector<1024x128xi32>
    %slice3A_53 = vector.extract_strided_slice %slice3A {offsets = [0, 1152], sizes = [1024, 128], strides = [1, 1]} : vector<1024x2816xf32> to vector<1024x128xf32>
    %gt3A_54 = arith.cmpf ogt, %slice3A_53, %select_n3A_49 : vector<1024x128xf32>
    %select_n3A_55 = arith.select %gt3A_54, %slice3A_53, %select_n3A_49 : vector<1024x128xi1>, vector<1024x128xf32>
    %jit3A_56 = arith.constant 9 : i32
    %broadcast_in_dim3A_57 = vector.broadcast %jit3A_56 : i32 to vector<1024x128xi32>
    %select_n3A_58 = arith.select %gt3A_54, %broadcast_in_dim3A_57, %select_n3A_52 : vector<1024x128xi1>, vector<1024x128xi32>
    %slice3A_59 = vector.extract_strided_slice %slice3A {offsets = [0, 1280], sizes = [1024, 128], strides = [1, 1]} : vector<1024x2816xf32> to vector<1024x128xf32>
    %gt3A_60 = arith.cmpf ogt, %slice3A_59, %select_n3A_55 : vector<1024x128xf32>
    %select_n3A_61 = arith.select %gt3A_60, %slice3A_59, %select_n3A_55 : vector<1024x128xi1>, vector<1024x128xf32>
    %jit3A_62 = arith.constant 10 : i32
    %broadcast_in_dim3A_63 = vector.broadcast %jit3A_62 : i32 to vector<1024x128xi32>
    %select_n3A_64 = arith.select %gt3A_60, %broadcast_in_dim3A_63, %select_n3A_58 : vector<1024x128xi1>, vector<1024x128xi32>
    %slice3A_65 = vector.extract_strided_slice %slice3A {offsets = [0, 1408], sizes = [1024, 128], strides = [1, 1]} : vector<1024x2816xf32> to vector<1024x128xf32>
    %gt3A_66 = arith.cmpf ogt, %slice3A_65, %select_n3A_61 : vector<1024x128xf32>
    %select_n3A_67 = arith.select %gt3A_66, %slice3A_65, %select_n3A_61 : vector<1024x128xi1>, vector<1024x128xf32>
    %jit3A_68 = arith.constant 11 : i32
    %broadcast_in_dim3A_69 = vector.broadcast %jit3A_68 : i32 to vector<1024x128xi32>
    %select_n3A_70 = arith.select %gt3A_66, %broadcast_in_dim3A_69, %select_n3A_64 : vector<1024x128xi1>, vector<1024x128xi32>
    %slice3A_71 = vector.extract_strided_slice %slice3A {offsets = [0, 1536], sizes = [1024, 128], strides = [1, 1]} : vector<1024x2816xf32> to vector<1024x128xf32>
    %gt3A_72 = arith.cmpf ogt, %slice3A_71, %select_n3A_67 : vector<1024x128xf32>
    %select_n3A_73 = arith.select %gt3A_72, %slice3A_71, %select_n3A_67 : vector<1024x128xi1>, vector<1024x128xf32>
    %jit3A_74 = arith.constant 12 : i32
    %broadcast_in_dim3A_75 = vector.broadcast %jit3A_74 : i32 to vector<1024x128xi32>
    %select_n3A_76 = arith.select %gt3A_72, %broadcast_in_dim3A_75, %select_n3A_70 : vector<1024x128xi1>, vector<1024x128xi32>
    %slice3A_77 = vector.extract_strided_slice %slice3A {offsets = [0, 1664], sizes = [1024, 128], strides = [1, 1]} : vector<1024x2816xf32> to vector<1024x128xf32>
    %gt3A_78 = arith.cmpf ogt, %slice3A_77, %select_n3A_73 : vector<1024x128xf32>
    %select_n3A_79 = arith.select %gt3A_78, %slice3A_77, %select_n3A_73 : vector<1024x128xi1>, vector<1024x128xf32>
    %jit3A_80 = arith.constant 13 : i32
    %broadcast_in_dim3A_81 = vector.broadcast %jit3A_80 : i32 to vector<1024x128xi32>
    %select_n3A_82 = arith.select %gt3A_78, %broadcast_in_dim3A_81, %select_n3A_76 : vector<1024x128xi1>, vector<1024x128xi32>
    %slice3A_83 = vector.extract_strided_slice %slice3A {offsets = [0, 1792], sizes = [1024, 128], strides = [1, 1]} : vector<1024x2816xf32> to vector<1024x128xf32>
    %gt3A_84 = arith.cmpf ogt, %slice3A_83, %select_n3A_79 : vector<1024x128xf32>
    %select_n3A_85 = arith.select %gt3A_84, %slice3A_83, %select_n3A_79 : vector<1024x128xi1>, vector<1024x128xf32>
    %jit3A_86 = arith.constant 14 : i32
    %broadcast_in_dim3A_87 = vector.broadcast %jit3A_86 : i32 to vector<1024x128xi32>
    %select_n3A_88 = arith.select %gt3A_84, %broadcast_in_dim3A_87, %select_n3A_82 : vector<1024x128xi1>, vector<1024x128xi32>
    %slice3A_89 = vector.extract_strided_slice %slice3A {offsets = [0, 1920], sizes = [1024, 128], strides = [1, 1]} : vector<1024x2816xf32> to vector<1024x128xf32>
    %gt3A_90 = arith.cmpf ogt, %slice3A_89, %select_n3A_85 : vector<1024x128xf32>
    %select_n3A_91 = arith.select %gt3A_90, %slice3A_89, %select_n3A_85 : vector<1024x128xi1>, vector<1024x128xf32>
    %jit3A_92 = arith.constant 15 : i32
    %broadcast_in_dim3A_93 = vector.broadcast %jit3A_92 : i32 to vector<1024x128xi32>
    %select_n3A_94 = arith.select %gt3A_90, %broadcast_in_dim3A_93, %select_n3A_88 : vector<1024x128xi1>, vector<1024x128xi32>
    %slice3A_95 = vector.extract_strided_slice %slice3A {offsets = [0, 2048], sizes = [1024, 128], strides = [1, 1]} : vector<1024x2816xf32> to vector<1024x128xf32>
    %gt3A_96 = arith.cmpf ogt, %slice3A_95, %select_n3A_91 : vector<1024x128xf32>
    %select_n3A_97 = arith.select %gt3A_96, %slice3A_95, %select_n3A_91 : vector<1024x128xi1>, vector<1024x128xf32>
    %jit3A_98 = arith.constant 16 : i32
    %broadcast_in_dim3A_99 = vector.broadcast %jit3A_98 : i32 to vector<1024x128xi32>
    %select_n3A_100 = arith.select %gt3A_96, %broadcast_in_dim3A_99, %select_n3A_94 : vector<1024x128xi1>, vector<1024x128xi32>
    %slice3A_101 = vector.extract_strided_slice %slice3A {offsets = [0, 2176], sizes = [1024, 128], strides = [1, 1]} : vector<1024x2816xf32> to vector<1024x128xf32>
    %gt3A_102 = arith.cmpf ogt, %slice3A_101, %select_n3A_97 : vector<1024x128xf32>
    %select_n3A_103 = arith.select %gt3A_102, %slice3A_101, %select_n3A_97 : vector<1024x128xi1>, vector<1024x128xf32>
    %jit3A_104 = arith.constant 17 : i32
    %broadcast_in_dim3A_105 = vector.broadcast %jit3A_104 : i32 to vector<1024x128xi32>
    %select_n3A_106 = arith.select %gt3A_102, %broadcast_in_dim3A_105, %select_n3A_100 : vector<1024x128xi1>, vector<1024x128xi32>
    %slice3A_107 = vector.extract_strided_slice %slice3A {offsets = [0, 2304], sizes = [1024, 128], strides = [1, 1]} : vector<1024x2816xf32> to vector<1024x128xf32>
    %gt3A_108 = arith.cmpf ogt, %slice3A_107, %select_n3A_103 : vector<1024x128xf32>
    %select_n3A_109 = arith.select %gt3A_108, %slice3A_107, %select_n3A_103 : vector<1024x128xi1>, vector<1024x128xf32>
    %jit3A_110 = arith.constant 18 : i32
    %broadcast_in_dim3A_111 = vector.broadcast %jit3A_110 : i32 to vector<1024x128xi32>
    %select_n3A_112 = arith.select %gt3A_108, %broadcast_in_dim3A_111, %select_n3A_106 : vector<1024x128xi1>, vector<1024x128xi32>
    %slice3A_113 = vector.extract_strided_slice %slice3A {offsets = [0, 2432], sizes = [1024, 128], strides = [1, 1]} : vector<1024x2816xf32> to vector<1024x128xf32>
    %gt3A_114 = arith.cmpf ogt, %slice3A_113, %select_n3A_109 : vector<1024x128xf32>
    %select_n3A_115 = arith.select %gt3A_114, %slice3A_113, %select_n3A_109 : vector<1024x128xi1>, vector<1024x128xf32>
    %jit3A_116 = arith.constant 19 : i32
    %broadcast_in_dim3A_117 = vector.broadcast %jit3A_116 : i32 to vector<1024x128xi32>
    %select_n3A_118 = arith.select %gt3A_114, %broadcast_in_dim3A_117, %select_n3A_112 : vector<1024x128xi1>, vector<1024x128xi32>
    %slice3A_119 = vector.extract_strided_slice %slice3A {offsets = [0, 2560], sizes = [1024, 128], strides = [1, 1]} : vector<1024x2816xf32> to vector<1024x128xf32>
    %gt3A_120 = arith.cmpf ogt, %slice3A_119, %select_n3A_115 : vector<1024x128xf32>
    %select_n3A_121 = arith.select %gt3A_120, %slice3A_119, %select_n3A_115 : vector<1024x128xi1>, vector<1024x128xf32>
    %jit3A_122 = arith.constant 20 : i32
    %broadcast_in_dim3A_123 = vector.broadcast %jit3A_122 : i32 to vector<1024x128xi32>
    %select_n3A_124 = arith.select %gt3A_120, %broadcast_in_dim3A_123, %select_n3A_118 : vector<1024x128xi1>, vector<1024x128xi32>
    %slice3A_125 = vector.extract_strided_slice %slice3A {offsets = [0, 2688], sizes = [1024, 128], strides = [1, 1]} : vector<1024x2816xf32> to vector<1024x128xf32>
    %gt3A_126 = arith.cmpf ogt, %slice3A_125, %select_n3A_121 : vector<1024x128xf32>
    %select_n3A_127 = arith.select %gt3A_126, %slice3A_125, %select_n3A_121 : vector<1024x128xi1>, vector<1024x128xf32>
    %jit3A_128 = arith.constant 21 : i32
    %broadcast_in_dim3A_129 = vector.broadcast %jit3A_128 : i32 to vector<1024x128xi32>
    %select_n3A_130 = arith.select %gt3A_126, %broadcast_in_dim3A_129, %select_n3A_124 : vector<1024x128xi1>, vector<1024x128xi32>
    %reduce_max3A = arith.constant dense<0xFF800000> : vector<1024xf32>
    %reduce_max3A_131 = vector.multi_reduction <maximumf>, %select_n3A_127, %reduce_max3A [1] : vector<1024x128xf32> to vector<1024xf32>
    %broadcast_in_dim3A_132 = vector.shape_cast %reduce_max3A_131 : vector<1024xf32> to vector<1024x1xf32>
    %eq3A = vector.broadcast %broadcast_in_dim3A_132 : vector<1024x1xf32> to vector<1024x128xf32>
    %eq3A_133 = arith.cmpf oeq, %select_n3A_127, %eq3A : vector<1024x128xf32>
    %mul3A = arith.constant 128 : i32
    %mul3A_134 = vector.broadcast %mul3A : i32 to vector<1024x128xi32>
    %mul3A_135 = arith.muli %select_n3A_130, %mul3A_134 : vector<1024x128xi32>
    %add3A = arith.addi %mul3A_135, %iota3A : vector<1024x128xi32>
    %add3A_136 = arith.constant 0 : i32
    %add3A_137 = vector.broadcast %add3A_136 : i32 to vector<1024x128xi32>
    %add3A_138 = arith.addi %add3A, %add3A_137 : vector<1024x128xi32>
    %jit3A_139 = arith.constant 8192 : i32
    %broadcast_in_dim3A_140 = vector.broadcast %jit3A_139 : i32 to vector<1024x128xi32>
    %select_n3A_141 = arith.select %eq3A_133, %add3A_138, %broadcast_in_dim3A_140 : vector<1024x128xi1>, vector<1024x128xi32>
    %reduce_min3A = arith.constant dense<2147483647> : vector<1024xi32>
    %reduce_min3A_142 = vector.multi_reduction <minsi>, %select_n3A_141, %reduce_min3A [1] : vector<1024x128xi32> to vector<1024xi32>
    %squeeze3A = vector.shape_cast %broadcast_in_dim3A_132 : vector<1024x1xf32> to vector<1024xf32>
    %slice3A_143 = vector.extract_strided_slice %dot_general3A_5 {offsets = [0, 2816], sizes = [1024, 2816], strides = [1, 1]} : vector<1024x8192xf32> to vector<1024x2816xf32>
    %slice3A_144 = vector.extract_strided_slice %slice3A_143 {offsets = [0, 0], sizes = [1024, 128], strides = [1, 1]} : vector<1024x2816xf32> to vector<1024x128xf32>
    %broadcast_in_dim3A_145 = arith.constant 0 : i32
    %broadcast_in_dim3A_146 = vector.broadcast %broadcast_in_dim3A_145 : i32 to vector<1024x128xi32>
    %slice3A_147 = vector.extract_strided_slice %slice3A_143 {offsets = [0, 128], sizes = [1024, 128], strides = [1, 1]} : vector<1024x2816xf32> to vector<1024x128xf32>
    %gt3A_148 = arith.cmpf ogt, %slice3A_147, %slice3A_144 : vector<1024x128xf32>
    %select_n3A_149 = arith.select %gt3A_148, %slice3A_147, %slice3A_144 : vector<1024x128xi1>, vector<1024x128xf32>
    %jit3A_150 = arith.constant 1 : i32
    %broadcast_in_dim3A_151 = vector.broadcast %jit3A_150 : i32 to vector<1024x128xi32>
    %select_n3A_152 = arith.select %gt3A_148, %broadcast_in_dim3A_151, %broadcast_in_dim3A_146 : vector<1024x128xi1>, vector<1024x128xi32>
    %slice3A_153 = vector.extract_strided_slice %slice3A_143 {offsets = [0, 256], sizes = [1024, 128], strides = [1, 1]} : vector<1024x2816xf32> to vector<1024x128xf32>
    %gt3A_154 = arith.cmpf ogt, %slice3A_153, %select_n3A_149 : vector<1024x128xf32>
    %select_n3A_155 = arith.select %gt3A_154, %slice3A_153, %select_n3A_149 : vector<1024x128xi1>, vector<1024x128xf32>
    %jit3A_156 = arith.constant 2 : i32
    %broadcast_in_dim3A_157 = vector.broadcast %jit3A_156 : i32 to vector<1024x128xi32>
    %select_n3A_158 = arith.select %gt3A_154, %broadcast_in_dim3A_157, %select_n3A_152 : vector<1024x128xi1>, vector<1024x128xi32>
    %slice3A_159 = vector.extract_strided_slice %slice3A_143 {offsets = [0, 384], sizes = [1024, 128], strides = [1, 1]} : vector<1024x2816xf32> to vector<1024x128xf32>
    %gt3A_160 = arith.cmpf ogt, %slice3A_159, %select_n3A_155 : vector<1024x128xf32>
    %select_n3A_161 = arith.select %gt3A_160, %slice3A_159, %select_n3A_155 : vector<1024x128xi1>, vector<1024x128xf32>
    %jit3A_162 = arith.constant 3 : i32
    %broadcast_in_dim3A_163 = vector.broadcast %jit3A_162 : i32 to vector<1024x128xi32>
    %select_n3A_164 = arith.select %gt3A_160, %broadcast_in_dim3A_163, %select_n3A_158 : vector<1024x128xi1>, vector<1024x128xi32>
    %slice3A_165 = vector.extract_strided_slice %slice3A_143 {offsets = [0, 512], sizes = [1024, 128], strides = [1, 1]} : vector<1024x2816xf32> to vector<1024x128xf32>
    %gt3A_166 = arith.cmpf ogt, %slice3A_165, %select_n3A_161 : vector<1024x128xf32>
    %select_n3A_167 = arith.select %gt3A_166, %slice3A_165, %select_n3A_161 : vector<1024x128xi1>, vector<1024x128xf32>
    %jit3A_168 = arith.constant 4 : i32
    %broadcast_in_dim3A_169 = vector.broadcast %jit3A_168 : i32 to vector<1024x128xi32>
    %select_n3A_170 = arith.select %gt3A_166, %broadcast_in_dim3A_169, %select_n3A_164 : vector<1024x128xi1>, vector<1024x128xi32>
    %slice3A_171 = vector.extract_strided_slice %slice3A_143 {offsets = [0, 640], sizes = [1024, 128], strides = [1, 1]} : vector<1024x2816xf32> to vector<1024x128xf32>
    %gt3A_172 = arith.cmpf ogt, %slice3A_171, %select_n3A_167 : vector<1024x128xf32>
    %select_n3A_173 = arith.select %gt3A_172, %slice3A_171, %select_n3A_167 : vector<1024x128xi1>, vector<1024x128xf32>
    %jit3A_174 = arith.constant 5 : i32
    %broadcast_in_dim3A_175 = vector.broadcast %jit3A_174 : i32 to vector<1024x128xi32>
    %select_n3A_176 = arith.select %gt3A_172, %broadcast_in_dim3A_175, %select_n3A_170 : vector<1024x128xi1>, vector<1024x128xi32>
    %slice3A_177 = vector.extract_strided_slice %slice3A_143 {offsets = [0, 768], sizes = [1024, 128], strides = [1, 1]} : vector<1024x2816xf32> to vector<1024x128xf32>
    %gt3A_178 = arith.cmpf ogt, %slice3A_177, %select_n3A_173 : vector<1024x128xf32>
    %select_n3A_179 = arith.select %gt3A_178, %slice3A_177, %select_n3A_173 : vector<1024x128xi1>, vector<1024x128xf32>
    %jit3A_180 = arith.constant 6 : i32
    %broadcast_in_dim3A_181 = vector.broadcast %jit3A_180 : i32 to vector<1024x128xi32>
    %select_n3A_182 = arith.select %gt3A_178, %broadcast_in_dim3A_181, %select_n3A_176 : vector<1024x128xi1>, vector<1024x128xi32>
    %slice3A_183 = vector.extract_strided_slice %slice3A_143 {offsets = [0, 896], sizes = [1024, 128], strides = [1, 1]} : vector<1024x2816xf32> to vector<1024x128xf32>
    %gt3A_184 = arith.cmpf ogt, %slice3A_183, %select_n3A_179 : vector<1024x128xf32>
    %select_n3A_185 = arith.select %gt3A_184, %slice3A_183, %select_n3A_179 : vector<1024x128xi1>, vector<1024x128xf32>
    %jit3A_186 = arith.constant 7 : i32
    %broadcast_in_dim3A_187 = vector.broadcast %jit3A_186 : i32 to vector<1024x128xi32>
    %select_n3A_188 = arith.select %gt3A_184, %broadcast_in_dim3A_187, %select_n3A_182 : vector<1024x128xi1>, vector<1024x128xi32>
    %slice3A_189 = vector.extract_strided_slice %slice3A_143 {offsets = [0, 1024], sizes = [1024, 128], strides = [1, 1]} : vector<1024x2816xf32> to vector<1024x128xf32>
    %gt3A_190 = arith.cmpf ogt, %slice3A_189, %select_n3A_185 : vector<1024x128xf32>
    %select_n3A_191 = arith.select %gt3A_190, %slice3A_189, %select_n3A_185 : vector<1024x128xi1>, vector<1024x128xf32>
    %jit3A_192 = arith.constant 8 : i32
    %broadcast_in_dim3A_193 = vector.broadcast %jit3A_192 : i32 to vector<1024x128xi32>
    %select_n3A_194 = arith.select %gt3A_190, %broadcast_in_dim3A_193, %select_n3A_188 : vector<1024x128xi1>, vector<1024x128xi32>
    %slice3A_195 = vector.extract_strided_slice %slice3A_143 {offsets = [0, 1152], sizes = [1024, 128], strides = [1, 1]} : vector<1024x2816xf32> to vector<1024x128xf32>
    %gt3A_196 = arith.cmpf ogt, %slice3A_195, %select_n3A_191 : vector<1024x128xf32>
    %select_n3A_197 = arith.select %gt3A_196, %slice3A_195, %select_n3A_191 : vector<1024x128xi1>, vector<1024x128xf32>
    %jit3A_198 = arith.constant 9 : i32
    %broadcast_in_dim3A_199 = vector.broadcast %jit3A_198 : i32 to vector<1024x128xi32>
    %select_n3A_200 = arith.select %gt3A_196, %broadcast_in_dim3A_199, %select_n3A_194 : vector<1024x128xi1>, vector<1024x128xi32>
    %slice3A_201 = vector.extract_strided_slice %slice3A_143 {offsets = [0, 1280], sizes = [1024, 128], strides = [1, 1]} : vector<1024x2816xf32> to vector<1024x128xf32>
    %gt3A_202 = arith.cmpf ogt, %slice3A_201, %select_n3A_197 : vector<1024x128xf32>
    %select_n3A_203 = arith.select %gt3A_202, %slice3A_201, %select_n3A_197 : vector<1024x128xi1>, vector<1024x128xf32>
    %jit3A_204 = arith.constant 10 : i32
    %broadcast_in_dim3A_205 = vector.broadcast %jit3A_204 : i32 to vector<1024x128xi32>
    %select_n3A_206 = arith.select %gt3A_202, %broadcast_in_dim3A_205, %select_n3A_200 : vector<1024x128xi1>, vector<1024x128xi32>
    %slice3A_207 = vector.extract_strided_slice %slice3A_143 {offsets = [0, 1408], sizes = [1024, 128], strides = [1, 1]} : vector<1024x2816xf32> to vector<1024x128xf32>
    %gt3A_208 = arith.cmpf ogt, %slice3A_207, %select_n3A_203 : vector<1024x128xf32>
    %select_n3A_209 = arith.select %gt3A_208, %slice3A_207, %select_n3A_203 : vector<1024x128xi1>, vector<1024x128xf32>
    %jit3A_210 = arith.constant 11 : i32
    %broadcast_in_dim3A_211 = vector.broadcast %jit3A_210 : i32 to vector<1024x128xi32>
    %select_n3A_212 = arith.select %gt3A_208, %broadcast_in_dim3A_211, %select_n3A_206 : vector<1024x128xi1>, vector<1024x128xi32>
    %slice3A_213 = vector.extract_strided_slice %slice3A_143 {offsets = [0, 1536], sizes = [1024, 128], strides = [1, 1]} : vector<1024x2816xf32> to vector<1024x128xf32>
    %gt3A_214 = arith.cmpf ogt, %slice3A_213, %select_n3A_209 : vector<1024x128xf32>
    %select_n3A_215 = arith.select %gt3A_214, %slice3A_213, %select_n3A_209 : vector<1024x128xi1>, vector<1024x128xf32>
    %jit3A_216 = arith.constant 12 : i32
    %broadcast_in_dim3A_217 = vector.broadcast %jit3A_216 : i32 to vector<1024x128xi32>
    %select_n3A_218 = arith.select %gt3A_214, %broadcast_in_dim3A_217, %select_n3A_212 : vector<1024x128xi1>, vector<1024x128xi32>
    %slice3A_219 = vector.extract_strided_slice %slice3A_143 {offsets = [0, 1664], sizes = [1024, 128], strides = [1, 1]} : vector<1024x2816xf32> to vector<1024x128xf32>
    %gt3A_220 = arith.cmpf ogt, %slice3A_219, %select_n3A_215 : vector<1024x128xf32>
    %select_n3A_221 = arith.select %gt3A_220, %slice3A_219, %select_n3A_215 : vector<1024x128xi1>, vector<1024x128xf32>
    %jit3A_222 = arith.constant 13 : i32
    %broadcast_in_dim3A_223 = vector.broadcast %jit3A_222 : i32 to vector<1024x128xi32>
    %select_n3A_224 = arith.select %gt3A_220, %broadcast_in_dim3A_223, %select_n3A_218 : vector<1024x128xi1>, vector<1024x128xi32>
    %slice3A_225 = vector.extract_strided_slice %slice3A_143 {offsets = [0, 1792], sizes = [1024, 128], strides = [1, 1]} : vector<1024x2816xf32> to vector<1024x128xf32>
    %gt3A_226 = arith.cmpf ogt, %slice3A_225, %select_n3A_221 : vector<1024x128xf32>
    %select_n3A_227 = arith.select %gt3A_226, %slice3A_225, %select_n3A_221 : vector<1024x128xi1>, vector<1024x128xf32>
    %jit3A_228 = arith.constant 14 : i32
    %broadcast_in_dim3A_229 = vector.broadcast %jit3A_228 : i32 to vector<1024x128xi32>
    %select_n3A_230 = arith.select %gt3A_226, %broadcast_in_dim3A_229, %select_n3A_224 : vector<1024x128xi1>, vector<1024x128xi32>
    %slice3A_231 = vector.extract_strided_slice %slice3A_143 {offsets = [0, 1920], sizes = [1024, 128], strides = [1, 1]} : vector<1024x2816xf32> to vector<1024x128xf32>
    %gt3A_232 = arith.cmpf ogt, %slice3A_231, %select_n3A_227 : vector<1024x128xf32>
    %select_n3A_233 = arith.select %gt3A_232, %slice3A_231, %select_n3A_227 : vector<1024x128xi1>, vector<1024x128xf32>
    %jit3A_234 = arith.constant 15 : i32
    %broadcast_in_dim3A_235 = vector.broadcast %jit3A_234 : i32 to vector<1024x128xi32>
    %select_n3A_236 = arith.select %gt3A_232, %broadcast_in_dim3A_235, %select_n3A_230 : vector<1024x128xi1>, vector<1024x128xi32>
    %slice3A_237 = vector.extract_strided_slice %slice3A_143 {offsets = [0, 2048], sizes = [1024, 128], strides = [1, 1]} : vector<1024x2816xf32> to vector<1024x128xf32>
    %gt3A_238 = arith.cmpf ogt, %slice3A_237, %select_n3A_233 : vector<1024x128xf32>
    %select_n3A_239 = arith.select %gt3A_238, %slice3A_237, %select_n3A_233 : vector<1024x128xi1>, vector<1024x128xf32>
    %jit3A_240 = arith.constant 16 : i32
    %broadcast_in_dim3A_241 = vector.broadcast %jit3A_240 : i32 to vector<1024x128xi32>
    %select_n3A_242 = arith.select %gt3A_238, %broadcast_in_dim3A_241, %select_n3A_236 : vector<1024x128xi1>, vector<1024x128xi32>
    %slice3A_243 = vector.extract_strided_slice %slice3A_143 {offsets = [0, 2176], sizes = [1024, 128], strides = [1, 1]} : vector<1024x2816xf32> to vector<1024x128xf32>
    %gt3A_244 = arith.cmpf ogt, %slice3A_243, %select_n3A_239 : vector<1024x128xf32>
    %select_n3A_245 = arith.select %gt3A_244, %slice3A_243, %select_n3A_239 : vector<1024x128xi1>, vector<1024x128xf32>
    %jit3A_246 = arith.constant 17 : i32
    %broadcast_in_dim3A_247 = vector.broadcast %jit3A_246 : i32 to vector<1024x128xi32>
    %select_n3A_248 = arith.select %gt3A_244, %broadcast_in_dim3A_247, %select_n3A_242 : vector<1024x128xi1>, vector<1024x128xi32>
    %slice3A_249 = vector.extract_strided_slice %slice3A_143 {offsets = [0, 2304], sizes = [1024, 128], strides = [1, 1]} : vector<1024x2816xf32> to vector<1024x128xf32>
    %gt3A_250 = arith.cmpf ogt, %slice3A_249, %select_n3A_245 : vector<1024x128xf32>
    %select_n3A_251 = arith.select %gt3A_250, %slice3A_249, %select_n3A_245 : vector<1024x128xi1>, vector<1024x128xf32>
    %jit3A_252 = arith.constant 18 : i32
    %broadcast_in_dim3A_253 = vector.broadcast %jit3A_252 : i32 to vector<1024x128xi32>
    %select_n3A_254 = arith.select %gt3A_250, %broadcast_in_dim3A_253, %select_n3A_248 : vector<1024x128xi1>, vector<1024x128xi32>
    %slice3A_255 = vector.extract_strided_slice %slice3A_143 {offsets = [0, 2432], sizes = [1024, 128], strides = [1, 1]} : vector<1024x2816xf32> to vector<1024x128xf32>
    %gt3A_256 = arith.cmpf ogt, %slice3A_255, %select_n3A_251 : vector<1024x128xf32>
    %select_n3A_257 = arith.select %gt3A_256, %slice3A_255, %select_n3A_251 : vector<1024x128xi1>, vector<1024x128xf32>
    %jit3A_258 = arith.constant 19 : i32
    %broadcast_in_dim3A_259 = vector.broadcast %jit3A_258 : i32 to vector<1024x128xi32>
    %select_n3A_260 = arith.select %gt3A_256, %broadcast_in_dim3A_259, %select_n3A_254 : vector<1024x128xi1>, vector<1024x128xi32>
    %slice3A_261 = vector.extract_strided_slice %slice3A_143 {offsets = [0, 2560], sizes = [1024, 128], strides = [1, 1]} : vector<1024x2816xf32> to vector<1024x128xf32>
    %gt3A_262 = arith.cmpf ogt, %slice3A_261, %select_n3A_257 : vector<1024x128xf32>
    %select_n3A_263 = arith.select %gt3A_262, %slice3A_261, %select_n3A_257 : vector<1024x128xi1>, vector<1024x128xf32>
    %jit3A_264 = arith.constant 20 : i32
    %broadcast_in_dim3A_265 = vector.broadcast %jit3A_264 : i32 to vector<1024x128xi32>
    %select_n3A_266 = arith.select %gt3A_262, %broadcast_in_dim3A_265, %select_n3A_260 : vector<1024x128xi1>, vector<1024x128xi32>
    %slice3A_267 = vector.extract_strided_slice %slice3A_143 {offsets = [0, 2688], sizes = [1024, 128], strides = [1, 1]} : vector<1024x2816xf32> to vector<1024x128xf32>
    %gt3A_268 = arith.cmpf ogt, %slice3A_267, %select_n3A_263 : vector<1024x128xf32>
    %select_n3A_269 = arith.select %gt3A_268, %slice3A_267, %select_n3A_263 : vector<1024x128xi1>, vector<1024x128xf32>
    %jit3A_270 = arith.constant 21 : i32
    %broadcast_in_dim3A_271 = vector.broadcast %jit3A_270 : i32 to vector<1024x128xi32>
    %select_n3A_272 = arith.select %gt3A_268, %broadcast_in_dim3A_271, %select_n3A_266 : vector<1024x128xi1>, vector<1024x128xi32>
    %reduce_max3A_273 = arith.constant dense<0xFF800000> : vector<1024xf32>
    %reduce_max3A_274 = vector.multi_reduction <maximumf>, %select_n3A_269, %reduce_max3A_273 [1] : vector<1024x128xf32> to vector<1024xf32>
    %broadcast_in_dim3A_275 = vector.shape_cast %reduce_max3A_274 : vector<1024xf32> to vector<1024x1xf32>
    %eq3A_276 = vector.broadcast %broadcast_in_dim3A_275 : vector<1024x1xf32> to vector<1024x128xf32>
    %eq3A_277 = arith.cmpf oeq, %select_n3A_269, %eq3A_276 : vector<1024x128xf32>
    %mul3A_278 = arith.constant 128 : i32
    %mul3A_279 = vector.broadcast %mul3A_278 : i32 to vector<1024x128xi32>
    %mul3A_280 = arith.muli %select_n3A_272, %mul3A_279 : vector<1024x128xi32>
    %add3A_281 = arith.addi %mul3A_280, %iota3A : vector<1024x128xi32>
    %add3A_282 = arith.constant 2816 : i32
    %add3A_283 = vector.broadcast %add3A_282 : i32 to vector<1024x128xi32>
    %add3A_284 = arith.addi %add3A_281, %add3A_283 : vector<1024x128xi32>
    %jit3A_285 = arith.constant 8192 : i32
    %broadcast_in_dim3A_286 = vector.broadcast %jit3A_285 : i32 to vector<1024x128xi32>
    %select_n3A_287 = arith.select %eq3A_277, %add3A_284, %broadcast_in_dim3A_286 : vector<1024x128xi1>, vector<1024x128xi32>
    %reduce_min3A_288 = arith.constant dense<2147483647> : vector<1024xi32>
    %reduce_min3A_289 = vector.multi_reduction <minsi>, %select_n3A_287, %reduce_min3A_288 [1] : vector<1024x128xi32> to vector<1024xi32>
    %squeeze3A_290 = vector.shape_cast %broadcast_in_dim3A_275 : vector<1024x1xf32> to vector<1024xf32>
    %slice3A_291 = vector.extract_strided_slice %dot_general3A_5 {offsets = [0, 5632], sizes = [1024, 2560], strides = [1, 1]} : vector<1024x8192xf32> to vector<1024x2560xf32>
    %slice3A_292 = vector.extract_strided_slice %slice3A_291 {offsets = [0, 0], sizes = [1024, 128], strides = [1, 1]} : vector<1024x2560xf32> to vector<1024x128xf32>
    %broadcast_in_dim3A_293 = arith.constant 0 : i32
    %broadcast_in_dim3A_294 = vector.broadcast %broadcast_in_dim3A_293 : i32 to vector<1024x128xi32>
    %slice3A_295 = vector.extract_strided_slice %slice3A_291 {offsets = [0, 128], sizes = [1024, 128], strides = [1, 1]} : vector<1024x2560xf32> to vector<1024x128xf32>
    %gt3A_296 = arith.cmpf ogt, %slice3A_295, %slice3A_292 : vector<1024x128xf32>
    %select_n3A_297 = arith.select %gt3A_296, %slice3A_295, %slice3A_292 : vector<1024x128xi1>, vector<1024x128xf32>
    %jit3A_298 = arith.constant 1 : i32
    %broadcast_in_dim3A_299 = vector.broadcast %jit3A_298 : i32 to vector<1024x128xi32>
    %select_n3A_300 = arith.select %gt3A_296, %broadcast_in_dim3A_299, %broadcast_in_dim3A_294 : vector<1024x128xi1>, vector<1024x128xi32>
    %slice3A_301 = vector.extract_strided_slice %slice3A_291 {offsets = [0, 256], sizes = [1024, 128], strides = [1, 1]} : vector<1024x2560xf32> to vector<1024x128xf32>
    %gt3A_302 = arith.cmpf ogt, %slice3A_301, %select_n3A_297 : vector<1024x128xf32>
    %select_n3A_303 = arith.select %gt3A_302, %slice3A_301, %select_n3A_297 : vector<1024x128xi1>, vector<1024x128xf32>
    %jit3A_304 = arith.constant 2 : i32
    %broadcast_in_dim3A_305 = vector.broadcast %jit3A_304 : i32 to vector<1024x128xi32>
    %select_n3A_306 = arith.select %gt3A_302, %broadcast_in_dim3A_305, %select_n3A_300 : vector<1024x128xi1>, vector<1024x128xi32>
    %slice3A_307 = vector.extract_strided_slice %slice3A_291 {offsets = [0, 384], sizes = [1024, 128], strides = [1, 1]} : vector<1024x2560xf32> to vector<1024x128xf32>
    %gt3A_308 = arith.cmpf ogt, %slice3A_307, %select_n3A_303 : vector<1024x128xf32>
    %select_n3A_309 = arith.select %gt3A_308, %slice3A_307, %select_n3A_303 : vector<1024x128xi1>, vector<1024x128xf32>
    %jit3A_310 = arith.constant 3 : i32
    %broadcast_in_dim3A_311 = vector.broadcast %jit3A_310 : i32 to vector<1024x128xi32>
    %select_n3A_312 = arith.select %gt3A_308, %broadcast_in_dim3A_311, %select_n3A_306 : vector<1024x128xi1>, vector<1024x128xi32>
    %slice3A_313 = vector.extract_strided_slice %slice3A_291 {offsets = [0, 512], sizes = [1024, 128], strides = [1, 1]} : vector<1024x2560xf32> to vector<1024x128xf32>
    %gt3A_314 = arith.cmpf ogt, %slice3A_313, %select_n3A_309 : vector<1024x128xf32>
    %select_n3A_315 = arith.select %gt3A_314, %slice3A_313, %select_n3A_309 : vector<1024x128xi1>, vector<1024x128xf32>
    %jit3A_316 = arith.constant 4 : i32
    %broadcast_in_dim3A_317 = vector.broadcast %jit3A_316 : i32 to vector<1024x128xi32>
    %select_n3A_318 = arith.select %gt3A_314, %broadcast_in_dim3A_317, %select_n3A_312 : vector<1024x128xi1>, vector<1024x128xi32>
    %slice3A_319 = vector.extract_strided_slice %slice3A_291 {offsets = [0, 640], sizes = [1024, 128], strides = [1, 1]} : vector<1024x2560xf32> to vector<1024x128xf32>
    %gt3A_320 = arith.cmpf ogt, %slice3A_319, %select_n3A_315 : vector<1024x128xf32>
    %select_n3A_321 = arith.select %gt3A_320, %slice3A_319, %select_n3A_315 : vector<1024x128xi1>, vector<1024x128xf32>
    %jit3A_322 = arith.constant 5 : i32
    %broadcast_in_dim3A_323 = vector.broadcast %jit3A_322 : i32 to vector<1024x128xi32>
    %select_n3A_324 = arith.select %gt3A_320, %broadcast_in_dim3A_323, %select_n3A_318 : vector<1024x128xi1>, vector<1024x128xi32>
    %slice3A_325 = vector.extract_strided_slice %slice3A_291 {offsets = [0, 768], sizes = [1024, 128], strides = [1, 1]} : vector<1024x2560xf32> to vector<1024x128xf32>
    %gt3A_326 = arith.cmpf ogt, %slice3A_325, %select_n3A_321 : vector<1024x128xf32>
    %select_n3A_327 = arith.select %gt3A_326, %slice3A_325, %select_n3A_321 : vector<1024x128xi1>, vector<1024x128xf32>
    %jit3A_328 = arith.constant 6 : i32
    %broadcast_in_dim3A_329 = vector.broadcast %jit3A_328 : i32 to vector<1024x128xi32>
    %select_n3A_330 = arith.select %gt3A_326, %broadcast_in_dim3A_329, %select_n3A_324 : vector<1024x128xi1>, vector<1024x128xi32>
    %slice3A_331 = vector.extract_strided_slice %slice3A_291 {offsets = [0, 896], sizes = [1024, 128], strides = [1, 1]} : vector<1024x2560xf32> to vector<1024x128xf32>
    %gt3A_332 = arith.cmpf ogt, %slice3A_331, %select_n3A_327 : vector<1024x128xf32>
    %select_n3A_333 = arith.select %gt3A_332, %slice3A_331, %select_n3A_327 : vector<1024x128xi1>, vector<1024x128xf32>
    %jit3A_334 = arith.constant 7 : i32
    %broadcast_in_dim3A_335 = vector.broadcast %jit3A_334 : i32 to vector<1024x128xi32>
    %select_n3A_336 = arith.select %gt3A_332, %broadcast_in_dim3A_335, %select_n3A_330 : vector<1024x128xi1>, vector<1024x128xi32>
    %slice3A_337 = vector.extract_strided_slice %slice3A_291 {offsets = [0, 1024], sizes = [1024, 128], strides = [1, 1]} : vector<1024x2560xf32> to vector<1024x128xf32>
    %gt3A_338 = arith.cmpf ogt, %slice3A_337, %select_n3A_333 : vector<1024x128xf32>
    %select_n3A_339 = arith.select %gt3A_338, %slice3A_337, %select_n3A_333 : vector<1024x128xi1>, vector<1024x128xf32>
    %jit3A_340 = arith.constant 8 : i32
    %broadcast_in_dim3A_341 = vector.broadcast %jit3A_340 : i32 to vector<1024x128xi32>
    %select_n3A_342 = arith.select %gt3A_338, %broadcast_in_dim3A_341, %select_n3A_336 : vector<1024x128xi1>, vector<1024x128xi32>
    %slice3A_343 = vector.extract_strided_slice %slice3A_291 {offsets = [0, 1152], sizes = [1024, 128], strides = [1, 1]} : vector<1024x2560xf32> to vector<1024x128xf32>
    %gt3A_344 = arith.cmpf ogt, %slice3A_343, %select_n3A_339 : vector<1024x128xf32>
    %select_n3A_345 = arith.select %gt3A_344, %slice3A_343, %select_n3A_339 : vector<1024x128xi1>, vector<1024x128xf32>
    %jit3A_346 = arith.constant 9 : i32
    %broadcast_in_dim3A_347 = vector.broadcast %jit3A_346 : i32 to vector<1024x128xi32>
    %select_n3A_348 = arith.select %gt3A_344, %broadcast_in_dim3A_347, %select_n3A_342 : vector<1024x128xi1>, vector<1024x128xi32>
    %slice3A_349 = vector.extract_strided_slice %slice3A_291 {offsets = [0, 1280], sizes = [1024, 128], strides = [1, 1]} : vector<1024x2560xf32> to vector<1024x128xf32>
    %gt3A_350 = arith.cmpf ogt, %slice3A_349, %select_n3A_345 : vector<1024x128xf32>
    %select_n3A_351 = arith.select %gt3A_350, %slice3A_349, %select_n3A_345 : vector<1024x128xi1>, vector<1024x128xf32>
    %jit3A_352 = arith.constant 10 : i32
    %broadcast_in_dim3A_353 = vector.broadcast %jit3A_352 : i32 to vector<1024x128xi32>
    %select_n3A_354 = arith.select %gt3A_350, %broadcast_in_dim3A_353, %select_n3A_348 : vector<1024x128xi1>, vector<1024x128xi32>
    %slice3A_355 = vector.extract_strided_slice %slice3A_291 {offsets = [0, 1408], sizes = [1024, 128], strides = [1, 1]} : vector<1024x2560xf32> to vector<1024x128xf32>
    %gt3A_356 = arith.cmpf ogt, %slice3A_355, %select_n3A_351 : vector<1024x128xf32>
    %select_n3A_357 = arith.select %gt3A_356, %slice3A_355, %select_n3A_351 : vector<1024x128xi1>, vector<1024x128xf32>
    %jit3A_358 = arith.constant 11 : i32
    %broadcast_in_dim3A_359 = vector.broadcast %jit3A_358 : i32 to vector<1024x128xi32>
    %select_n3A_360 = arith.select %gt3A_356, %broadcast_in_dim3A_359, %select_n3A_354 : vector<1024x128xi1>, vector<1024x128xi32>
    %slice3A_361 = vector.extract_strided_slice %slice3A_291 {offsets = [0, 1536], sizes = [1024, 128], strides = [1, 1]} : vector<1024x2560xf32> to vector<1024x128xf32>
    %gt3A_362 = arith.cmpf ogt, %slice3A_361, %select_n3A_357 : vector<1024x128xf32>
    %select_n3A_363 = arith.select %gt3A_362, %slice3A_361, %select_n3A_357 : vector<1024x128xi1>, vector<1024x128xf32>
    %jit3A_364 = arith.constant 12 : i32
    %broadcast_in_dim3A_365 = vector.broadcast %jit3A_364 : i32 to vector<1024x128xi32>
    %select_n3A_366 = arith.select %gt3A_362, %broadcast_in_dim3A_365, %select_n3A_360 : vector<1024x128xi1>, vector<1024x128xi32>
    %slice3A_367 = vector.extract_strided_slice %slice3A_291 {offsets = [0, 1664], sizes = [1024, 128], strides = [1, 1]} : vector<1024x2560xf32> to vector<1024x128xf32>
    %gt3A_368 = arith.cmpf ogt, %slice3A_367, %select_n3A_363 : vector<1024x128xf32>
    %select_n3A_369 = arith.select %gt3A_368, %slice3A_367, %select_n3A_363 : vector<1024x128xi1>, vector<1024x128xf32>
    %jit3A_370 = arith.constant 13 : i32
    %broadcast_in_dim3A_371 = vector.broadcast %jit3A_370 : i32 to vector<1024x128xi32>
    %select_n3A_372 = arith.select %gt3A_368, %broadcast_in_dim3A_371, %select_n3A_366 : vector<1024x128xi1>, vector<1024x128xi32>
    %slice3A_373 = vector.extract_strided_slice %slice3A_291 {offsets = [0, 1792], sizes = [1024, 128], strides = [1, 1]} : vector<1024x2560xf32> to vector<1024x128xf32>
    %gt3A_374 = arith.cmpf ogt, %slice3A_373, %select_n3A_369 : vector<1024x128xf32>
    %select_n3A_375 = arith.select %gt3A_374, %slice3A_373, %select_n3A_369 : vector<1024x128xi1>, vector<1024x128xf32>
    %jit3A_376 = arith.constant 14 : i32
    %broadcast_in_dim3A_377 = vector.broadcast %jit3A_376 : i32 to vector<1024x128xi32>
    %select_n3A_378 = arith.select %gt3A_374, %broadcast_in_dim3A_377, %select_n3A_372 : vector<1024x128xi1>, vector<1024x128xi32>
    %slice3A_379 = vector.extract_strided_slice %slice3A_291 {offsets = [0, 1920], sizes = [1024, 128], strides = [1, 1]} : vector<1024x2560xf32> to vector<1024x128xf32>
    %gt3A_380 = arith.cmpf ogt, %slice3A_379, %select_n3A_375 : vector<1024x128xf32>
    %select_n3A_381 = arith.select %gt3A_380, %slice3A_379, %select_n3A_375 : vector<1024x128xi1>, vector<1024x128xf32>
    %jit3A_382 = arith.constant 15 : i32
    %broadcast_in_dim3A_383 = vector.broadcast %jit3A_382 : i32 to vector<1024x128xi32>
    %select_n3A_384 = arith.select %gt3A_380, %broadcast_in_dim3A_383, %select_n3A_378 : vector<1024x128xi1>, vector<1024x128xi32>
    %slice3A_385 = vector.extract_strided_slice %slice3A_291 {offsets = [0, 2048], sizes = [1024, 128], strides = [1, 1]} : vector<1024x2560xf32> to vector<1024x128xf32>
    %gt3A_386 = arith.cmpf ogt, %slice3A_385, %select_n3A_381 : vector<1024x128xf32>
    %select_n3A_387 = arith.select %gt3A_386, %slice3A_385, %select_n3A_381 : vector<1024x128xi1>, vector<1024x128xf32>
    %jit3A_388 = arith.constant 16 : i32
    %broadcast_in_dim3A_389 = vector.broadcast %jit3A_388 : i32 to vector<1024x128xi32>
    %select_n3A_390 = arith.select %gt3A_386, %broadcast_in_dim3A_389, %select_n3A_384 : vector<1024x128xi1>, vector<1024x128xi32>
    %slice3A_391 = vector.extract_strided_slice %slice3A_291 {offsets = [0, 2176], sizes = [1024, 128], strides = [1, 1]} : vector<1024x2560xf32> to vector<1024x128xf32>
    %gt3A_392 = arith.cmpf ogt, %slice3A_391, %select_n3A_387 : vector<1024x128xf32>
    %select_n3A_393 = arith.select %gt3A_392, %slice3A_391, %select_n3A_387 : vector<1024x128xi1>, vector<1024x128xf32>
    %jit3A_394 = arith.constant 17 : i32
    %broadcast_in_dim3A_395 = vector.broadcast %jit3A_394 : i32 to vector<1024x128xi32>
    %select_n3A_396 = arith.select %gt3A_392, %broadcast_in_dim3A_395, %select_n3A_390 : vector<1024x128xi1>, vector<1024x128xi32>
    %slice3A_397 = vector.extract_strided_slice %slice3A_291 {offsets = [0, 2304], sizes = [1024, 128], strides = [1, 1]} : vector<1024x2560xf32> to vector<1024x128xf32>
    %gt3A_398 = arith.cmpf ogt, %slice3A_397, %select_n3A_393 : vector<1024x128xf32>
    %select_n3A_399 = arith.select %gt3A_398, %slice3A_397, %select_n3A_393 : vector<1024x128xi1>, vector<1024x128xf32>
    %jit3A_400 = arith.constant 18 : i32
    %broadcast_in_dim3A_401 = vector.broadcast %jit3A_400 : i32 to vector<1024x128xi32>
    %select_n3A_402 = arith.select %gt3A_398, %broadcast_in_dim3A_401, %select_n3A_396 : vector<1024x128xi1>, vector<1024x128xi32>
    %slice3A_403 = vector.extract_strided_slice %slice3A_291 {offsets = [0, 2432], sizes = [1024, 128], strides = [1, 1]} : vector<1024x2560xf32> to vector<1024x128xf32>
    %gt3A_404 = arith.cmpf ogt, %slice3A_403, %select_n3A_399 : vector<1024x128xf32>
    %select_n3A_405 = arith.select %gt3A_404, %slice3A_403, %select_n3A_399 : vector<1024x128xi1>, vector<1024x128xf32>
    %jit3A_406 = arith.constant 19 : i32
    %broadcast_in_dim3A_407 = vector.broadcast %jit3A_406 : i32 to vector<1024x128xi32>
    %select_n3A_408 = arith.select %gt3A_404, %broadcast_in_dim3A_407, %select_n3A_402 : vector<1024x128xi1>, vector<1024x128xi32>
    %reduce_max3A_409 = arith.constant dense<0xFF800000> : vector<1024xf32>
    %reduce_max3A_410 = vector.multi_reduction <maximumf>, %select_n3A_405, %reduce_max3A_409 [1] : vector<1024x128xf32> to vector<1024xf32>
    %broadcast_in_dim3A_411 = vector.shape_cast %reduce_max3A_410 : vector<1024xf32> to vector<1024x1xf32>
    %eq3A_412 = vector.broadcast %broadcast_in_dim3A_411 : vector<1024x1xf32> to vector<1024x128xf32>
    %eq3A_413 = arith.cmpf oeq, %select_n3A_405, %eq3A_412 : vector<1024x128xf32>
    %mul3A_414 = arith.constant 128 : i32
    %mul3A_415 = vector.broadcast %mul3A_414 : i32 to vector<1024x128xi32>
    %mul3A_416 = arith.muli %select_n3A_408, %mul3A_415 : vector<1024x128xi32>
    %add3A_417 = arith.addi %mul3A_416, %iota3A : vector<1024x128xi32>
    %add3A_418 = arith.constant 5632 : i32
    %add3A_419 = vector.broadcast %add3A_418 : i32 to vector<1024x128xi32>
    %add3A_420 = arith.addi %add3A_417, %add3A_419 : vector<1024x128xi32>
    %jit3A_421 = arith.constant 8192 : i32
    %broadcast_in_dim3A_422 = vector.broadcast %jit3A_421 : i32 to vector<1024x128xi32>
    %select_n3A_423 = arith.select %eq3A_413, %add3A_420, %broadcast_in_dim3A_422 : vector<1024x128xi1>, vector<1024x128xi32>
    %reduce_min3A_424 = arith.constant dense<2147483647> : vector<1024xi32>
    %reduce_min3A_425 = vector.multi_reduction <minsi>, %select_n3A_423, %reduce_min3A_424 [1] : vector<1024x128xi32> to vector<1024xi32>
    %squeeze3A_426 = vector.shape_cast %broadcast_in_dim3A_411 : vector<1024x1xf32> to vector<1024xf32>
    %convert_element_type3A_427 = arith.truncf %squeeze3A : vector<1024xf32> to vector<1024xbf16>
    %convert_element_type3A_428 = arith.extf %convert_element_type3A_427 : vector<1024xbf16> to vector<1024xf32>
    %gt3A_429 = arith.cmpf ogt, %squeeze3A_290, %convert_element_type3A_428 : vector<1024xf32>
    %convert_element_type3A_430 = arith.truncf %squeeze3A_290 : vector<1024xf32> to vector<1024xbf16>
    %convert_element_type3A_431 = arith.extf %convert_element_type3A_430 : vector<1024xbf16> to vector<1024xf32>
    %select_n3A_432 = arith.select %gt3A_429, %convert_element_type3A_431, %convert_element_type3A_428 : vector<1024xi1>, vector<1024xf32>
    %select_n3A_433 = arith.select %gt3A_429, %reduce_min3A_289, %reduce_min3A_142 : vector<1024xi1>, vector<1024xi32>
    %gt3A_434 = arith.cmpf ogt, %squeeze3A_426, %select_n3A_432 : vector<1024xf32>
    %select_n3A_435 = arith.select %gt3A_434, %reduce_min3A_425, %select_n3A_433 : vector<1024xi1>, vector<1024xi32>
    %swap3A = arith.constant 0 : index
    %swap3A_436 = arith.constant 0 : index
    %swap3A_437 = arith.constant 0 : index
    %swap3A_438 = vector.load %arg3[%swap3A, %swap3A_436, %swap3A_437] : memref<1x1x1024xi32, #tpu.memory_space<vmem>>, vector<1x1x1024xi32>
    %swap3A_439 = vector.shape_cast %swap3A_438 : vector<1x1x1024xi32> to vector<1024xi32>
    %swap3A_440 = vector.shape_cast %select_n3A_435 : vector<1024xi32> to vector<1x1x1024xi32>
    tpu.vector_store %arg3[%swap3A, %swap3A_436, %swap3A_437], %swap3A_440 {strides = array<i32>} : memref<1x1x1024xi32, #tpu.memory_space<vmem>>, vector<1x1x1024xi32>,
    return
  }
  func.func @transform_0(%arg0: i32) -> (i32, i32) {
    %c0_i32 = arith.constant 0 : i32
    %c0_i32_0 = arith.constant 0 : i32
    return %arg0, %c0_i32 : i32, i32
  }
  func.func @transform_1(%arg0: i32) -> (i32, i32) {
    %c0_i32 = arith.constant 0 : i32
    %c0_i32_0 = arith.constant 0 : i32
    %c0_i32_1 = arith.constant 0 : i32
    return %c0_i32, %c0_i32_0 : i32, i32
  }
  func.func @transform_2(%arg0: i32) -> (i32, i32, i32) {
    %c0_i32 = arith.constant 0 : i32
    %c0_i32_0 = arith.constant 0 : i32
    %c0_i32_1 = arith.constant 0 : i32
    return %arg0, %c0_i32, %c0_i32_0 : i32, i32, i32
  }
}

</mosaic_0001>

<sc_bundles>
// kernel: kernel.4.cloned.1.call-start
scs
__scs_entry_jumppad:
0x0: {  	(pc) =	sbr.rel $0x88, $3  }
0x1: {  	(tag) =	ssettag $0x0;
	lr =	simm.s32 $0x1  }
0x2: {  	[smem:$0x3F9F] =	sst lr;
	_ =	strace $0xD0000000  }
0x3: {  	_ = 	snop  }
0x4: {  	_ = 	snop  }
0x5: {  	_ = 	snop  }
0x6: {  	_ = 	snop  }
0x7: {  	_ = 	snop  }
__scs_overlays_trampoline_lowered:
0x8: {  	[smem:$0x3FAE] =	sst s0  }
0x9: {  	[smem:$0x3FAF] =	sst s1  }
0xa: {  	[smem:$0x3FB0] =	sst s2  }
0xb: {  	[smem:$0x3FB1] =	sst s3  }
0xc: {  	[smem:$0x3FB2] =	sst s4  }
0xd: {  	[smem:$0x3FB3] =	sst s5  }
0xe: {  	[smem:$0x3FB4] =	sst s6  }
0xf: {  	[smem:$0x3FB5] =	sst s7  }
0x10: {  	[smem:$0x3FB6] =	sst s8  }
0x11: {  	[smem:$0x3FB7] =	sst s9;
	s0 =	simm.s32 @!p0 $0x0  }
0x12: {  	s1 =	sld [smem:$0x3F9D];
	s0 =	simm.s32 @p0 $0x1  }
0x13: {  	[smem:$0x3FB8] =	sst s0;
	s0 =	simm.s32 @!p1 $0x0  }
0x14: {  	s2 =	sld [smem:$0x3F9C];
	s0 =	simm.s32 @p1 $0x1  }
0x15: {  	[smem:$0x3FB9] =	sst s0;
	s0 =	simm.s32 @!p2 $0x0  }
0x16: {  	s3 =	sld [smem:$0x3FDB];
	s0 =	simm.s32 @p2 $0x1  }
0x17: {  	s4 =	simm.s32 $0x1BF5;
	[smem:$0x3FBB] =	sst s0  }
0x18: {  	s0 =	sld [smem:$0x3F9E];
	_ =	swait.ge [sflag:s4], $0x0  }
0x19: {  	s7 =	sld [smem:$0x3F9F]  }
0x1a: {  	s8 =	sadd.s32 $0xFFFFE003, lr  }
0x1b: {  	s9 =	sadd.s32 $0xFFFFFEF7, lr;
	s5 =	simm.s32 $0xFFFFFFFF;
	p2 =	slt.u32 s8, $0xFFFFF086  }
0x1c: {  	p1 =	slt.u32 s9, $0xF7A;
	s5 =	simm.s32 @!p2 $0x0  }
0x1d: {  	s5 =	simm.s32 @p1 $0x1;
	p0 =	seq.s32 s7, s2  }
0x1e: {  	s7 =	smul.u32 @!p0 $0xF7A, s2;
	p2 =	seq.s32 @!p0 s5, $0x0  }
0x1f: {  	s9 =	smul.u32 $0xF7A, s1;
	s8 =	simm.s32 @!p0 $0x1BF5;
	p2 =	por !p2, p0  }
0x20: {  	[sflag:s8] =	ssyncset.s32 @!p0 $0xFFFFF086;
	s6 =	sadd.s32 @!p0 s3, s7;
	s7 =	simm.s32 @!p0 $0x108  }
0x21: {  	s3 =	sadd.s32 s3, s9;
	s6 =	sadd.s32 @!p0 $0x88, s6;
	s7 =	simm.s32 @p2 $0x1082  }
0x22: {  	[simem:s7], [sflag:s8] =	dma.local @!p0 [hbm:s6], $0xF7A  }
0x23: {  	s9 =	sor.u32 $0xD0000000, s2;
	s6 =	simm.s32 $0x108;
	_ =	swait.ge @!p0 [sflag:s8], $0x0  }
0x24: {  	s3 =	sadd.s32 $0x88, s3;
	s6 =	simm.s32 @!p1 $0x1082;
	[sflag:s4] =	ssyncset.s32 $0xFFFFF086  }
0x25: {  	[simem:s6], [sflag:s4] =	dma.local [hbm:s3], $0xF7A  }
0x26: {  	[smem:$0x3F9F] =	sst s1;
	(tag) =	ssettag s2;
	_ =	strace s9  }
0x27: {  	s1 =	sld [smem:$0x3FAF]  }
0x28: {  	s2 =	sld [smem:$0x3FB0]  }
0x29: {  	s4 =	sld [smem:$0x3FB2]  }
0x2a: {  	p0 =	seq.s32 s5, $0x0;
	s5 =	sld [smem:$0x3FB3]  }
0x2b: {  	s6 =	sld [smem:$0x3FB4]  }
0x2c: {  	s7 =	sld [smem:$0x3FB5]  }
0x2d: {  	s3 =	simm.s32 $0x108;
	s8 =	sld [smem:$0x3FB6]  }
0x2e: {  	s3 =	simm.s32 @!p0 $0x1082;
	s9 =	sld [smem:$0x3FB7]  }
0x2f: {  	lr =	sadd.s32 s0, s3;
	s0 =	sld [smem:$0x3FAE]  }
0x30: {  	s3 =	sld [smem:$0x3FB1]  }
0x31: {  	[smem:$0x3FBA] =	sst s10  }
0x32: {  	s10 =	sld [smem:$0x3FB8];
	_ =	sdelay $0x3  }
0x33: {  	p0 =	seq.s32 s10, $0x1;
	s10 =	sld [smem:$0x3FBA];
	_ =	sdelay $0x3  }
0x34: {  	[smem:$0x3FBA] =	sst s10  }
0x35: {  	s10 =	sld [smem:$0x3FB9];
	_ =	sdelay $0x3  }
0x36: {  	p1 =	seq.s32 s10, $0x1;
	s10 =	sld [smem:$0x3FBA];
	_ =	sdelay $0x3  }
0x37: {  	[smem:$0x3FBA] =	sst s10  }
0x38: {  	s10 =	sld [smem:$0x3FBB]  }
0x39: {  	_ = 	snop;
	(pc) =	sbr.ind lr, $3  }
0x3a: {  	_ = 	snop  }
0x3b: {  	_ = 	snop  }
0x3c: {  	p2 =	seq.s32 s10, $0x1;
	s10 =	sld [smem:$0x3FBA]  }
0x3d: {  	_ =	shalt  }
0x3e: {  	_ =	shalt  }
0x3f: {  	_ =	shalt  }
0x40: {  	_ =	shalt  }
0x41: {  	_ =	shalt  }
0x42: {  	_ =	shalt  }
0x43: {  	_ =	shalt  }
0x44: {  	_ =	shalt  }
0x45: {  	_ =	shalt  }
0x46: {  	_ =	shalt  }
0x47: {  	_ =	shalt  }
0x48: {  	_ =	shalt  }
0x49: {  	_ =	shalt  }
0x4a: {  	_ =	shalt  }
0x4b: {  	_ =	shalt  }
0x4c: {  	_ =	shalt  }
0x4d: {  	_ =	shalt  }
0x4e: {  	_ =	shalt  }
0x4f: {  	_ =	shalt  }
0x50: {  	_ =	shalt  }
0x51: {  	_ =	shalt  }
0x52: {  	_ =	shalt  }
0x53: {  	_ =	shalt  }
0x54: {  	_ =	shalt  }
0x55: {  	_ =	shalt  }
0x56: {  	_ =	shalt  }
0x57: {  	_ =	shalt  }
0x58: {  	_ =	shalt  }
0x59: {  	_ =	shalt  }
0x5a: {  	_ =	shalt  }
0x5b: {  	_ =	shalt  }
0x5c: {  	_ =	shalt  }
0x5d: {  	_ =	shalt  }
0x5e: {  	_ =	shalt  }
0x5f: {  	_ =	shalt  }
0x60: {  	_ =	shalt  }
0x61: {  	_ =	shalt  }
0x62: {  	_ =	shalt  }
0x63: {  	_ =	shalt  }
0x64: {  	_ =	shalt  }
0x65: {  	_ =	shalt  }
0x66: {  	_ =	shalt  }
0x67: {  	_ =	shalt  }
0x68: {  	_ =	shalt  }
0x69: {  	_ =	shalt  }
0x6a: {  	_ =	shalt  }
0x6b: {  	_ =	shalt  }
0x6c: {  	_ =	shalt  }
0x6d: {  	_ =	shalt  }
0x6e: {  	_ =	shalt  }
0x6f: {  	_ =	shalt  }
0x70: {  	_ =	shalt  }
0x71: {  	_ =	shalt  }
0x72: {  	_ =	shalt  }
0x73: {  	_ =	shalt  }
0x74: {  	_ =	shalt  }
0x75: {  	_ =	shalt  }
0x76: {  	_ =	shalt  }
0x77: {  	_ =	shalt  }
0x78: {  	_ =	shalt  }
0x79: {  	_ =	shalt  }
0x7a: {  	_ =	shalt  }
0x7b: {  	_ =	shalt  }
0x7c: {  	_ =	shalt  }
0x7d: {  	_ =	shalt  }
0x7e: {  	_ =	shalt  }
0x7f: {  	_ =	shalt  }
0x80: {  	_ =	shalt  }
0x81: {  	_ =	shalt  }
0x82: {  	_ =	shalt  }
0x83: {  	_ =	shalt  }
0x84: {  	_ =	shalt  }
0x85: {  	_ =	shalt  }
0x86: {  	_ =	shalt  }
0x87: {  	_ =	shalt  }
.Lfunc_end0:
.L_simem_size_0:
called_computation_lowered:
.L_overlay_start_0:
0x88: {  	s2 =	sld [smem:$0x3FD9]  }
0x89: {  	s3 =	sld [smem:$0x3FFE];
	_ =	sdelay $0x1  }
0x8a: {  	s1 =	srdreg.scid  }
0x8b: {  	s0 =	sand.u32 $0x1, s1  }
0x8c: {  	s17 =	sshll.u32 s0, $0xA;
	s2 =	sadd.s32 s3, s2  }
0x8d: {  	s2 =	sadd.s32 s2, s17  }
0x8e: {  	[smem:$0x3FC6] =	sst s2  }
0x8f: {  	_ = 	snop  }
0x90: {  	s2 =	sld [smem:$0x3FC8]  }
0x91: {  	s18 =	sld [smem:$0x3FD0];
	(tm) =	ssettm $0x1  }
0x92: {  	s4 =	sld [smem:$0x3FFB];
	_ =	sdelay $0x3  }
0x93: {  	_ =	strace s4  }
0x94: {  	s4 =	sld [smem:$0x3FFC];
	_ =	sdelay $0x3  }
0x95: {  	_ =	strace s4  }
0x96: {  	s4 =	sld [smem:$0x3FFD];
	_ =	sdelay $0x3  }
0x97: {  	_ =	strace s4  }
0x98: {  	_ =	strace $0x8FFFFFFF  }
0x99: {  	s19 =	sld [smem:$0x3FDB];
	_ =	sdelay $0x1  }
0x9a: {  	s5 =	simm.s32 $_scs_section_size  }
0x9b: {  	s6 =	simm.s32 $_size__tile_overlayer_lowered;
	s7 =	simm.s32 $_tile_overlayer_lowered  }
0x9c: {  	s22 =	simm.s32 $0x1BFF;
	s21 =	sshll.u32 s7, $0x1;
	s4 =	sadd.s32 s5, s19  }
0x9d: {  	s8 =	simm.s32 $0x0;
	s20 =	sshll.u32 s6, $0x1;
	s6 =	sadd.s32 s21, s4  }
0x9e: {  	[timem:s8], [sflag:s22] =	dma.local [hbm:s6], s20  }
0x9f: {  	_ =	swait.ge [sflag:s22], s20  }
0xa0: {  	s5 =	ssub.s32 $0x0, s20;
	[sflag:s22] =	ssyncset.done $0x0  }
0xa1: {  	[sflag:s22] =	ssyncadd.s32 s5;
	_ =	sdelay $0x1  }
0xa2: {  	s23 =	simm.s32 $0x1B8B  }
0xa3: {  	_ =	swait.ge [sflag:s23], $0x1  }
0xa4: {  	[sflag:s23] =	ssyncset.done $0x0  }
0xa5: {  	s25 =	simm.s32 $0x1B8E;
	s24 =	sld [smem:$0x3FFE];
	[sflag:s23] =	ssyncadd.s32 $0xFFFFFFFF  }
0xa6: {  	s26 =	simm.s32 $execute0_lowered;
	[smem:$0x3FD2] =	sst s25  }
0xa7: {  	s6 =	sshll.u32 s26, $0x1;
	_ =	strace $0x80000046;
	[dreg:$0x1] =	wrdreg $0xFFFFFFFF  }
0xa8: {  	s28 =	simm.s32 $_size_execute0_lowered;
	s4 =	sadd.s32 s4, s6;
	[dreg:$0x0] =	wrdreg $0x0  }
0xa9: {  	s6 =	sshll.u32 s28, $0x1;
	[dreg:$0x2] =	wrdreg s4  }
0xaa: {  	[dreg:$0x3] =	wrdreg s6  }
0xab: {  	[dreg:$0x4] =	wrdreg $0xC0  }
0xac: {  	_ =	task [dreg:s8], $0x5FFFF  }
0xad: {  	[dreg:$0x1] =	wrdreg $0xFFFFFFFF  }
0xae: {  	[dreg:$0x0] =	wrdreg $0x60  }
0xaf: {  	[dreg:$0x2] =	wrdreg s24  }
0xb0: {  	[dreg:$0x3] =	wrdreg s2  }
0xb1: {  	[dreg:$0x4] =	wrdreg s18  }
0xb2: {  	[dreg:$0x5] =	wrdreg $0x9  }
0xb3: {  	_ =	task.clear_ibuf [dreg:s8], $0x6FFFF;
	_ =	strace $0x90000046  }
0xb4: {  	s29 =	simm.s32 $0x9;
	_ =	strace $0x80000048  }
0xb5: {  	_ =	swait.ge [sflag:s29], $0x1  }
0xb6: {  	[sflag:s29] =	ssyncadd.s32 $0xFFFFFFFF  }
0xb7: {  	_ =	strace $0x90000048  }
0xb8: {  	_ =	sfence  }
0xb9: {  	s30 =	sld [smem:$0x0];
	_ =	sdelay $0x2  }
0xba: {  	s31 =	sshll.u32 s1, $0xD;
	s1 =	sshrl.u32 s1, $0x2  }
0xbb: {  	s3 =	sand.u32 $0x4000, s31;
	s1 =	sadd.s32 s1, s30  }
0xbc: {  	s0 =	sor.u32 s3, s0;
	s1 =	sshll.u32 s1, $0x11  }
0xbd: {  	s0 =	sor.u32 s1, s0  }
0xbe: {  	s0 =	sadd.s32 $0x8F2B, s0  }
0xbf: {  	[sflag:s0] =	ssyncadd.remote.s32 $0x1  }
0xc0: {  	_ =	sfence.sel $0xFFFF  }
0xc1: {  	[dreg:$0x0] =	wrdreg $0xFFFFFFFF;
	(pc) =	sbr.abs _section_cstart, $3  }
0xc2: {  	[dreg:$0x1] =	wrdreg $0xFFFFFFFF  }
0xc3: {  	_ =	task.clear_ibuf [dreg:s8], $0x2FFFF;
	_ =	strace $0x9FFFFFFF  }
0xc4: {  	(tm) =	ssettm $0x7FFFFFFF  }
0xc5: {  	_ =	shalt  }
tec
execute0_lowered:
.L_overlay_start_1:
0x0: {  	(tag) =	ssettag $0x1  }
0x1: {  	s0 =	rddreg [dreg:$0x0]  }
0x2: {  	s2 =	rddreg [dreg:$0x1]  }
0x3: {  	s1 =	rddreg [dreg:$0x2]  }
0x4: {  	s3 =	srdreg.scid;
	s5 =	stileid.u32  }
0x5: {  	s14 =	simm.s32 $0x3;
	s28 =	simm.s32 $0x4900;
	s29 =	simm.s32 $0x5100  }
0x6: {  	s30 =	simm.s32 $0x5900;
	s31 =	simm.s32 $0x6100;
	s9 =	simm.s32 $0x8900  }
0x7: {  	s10 =	simm.s32 $0x9100;
	s11 =	simm.s32 $0x9900;
	s12 =	simm.s32 $0xA100  }
0x8: {  	s4 =	sand.u32 $0x1, s3;
	s3 =	simm.s32 $0x0;
	s5 =	sshll.u32 s5, $0xA  }
0x9: {  	s0 =	sadd.s32 $0x800, s0;
	s6 =	sshll.u32 s4, $0x9;
	[smem:$0x7FF] =	sst s3  }
0xa: {  	s4 =	ssub.s32 $0x2, s4;
	s5 =	sor.u32 s6, s5;
	_ =	strace $0x80000047  }
0xb: {  	s24 =	sshrl.u32 s4, $0x1;
	s6 =	sshrl.u32 s5, $0x3;
	s7 =	sor.u32 $0x80, s5  }
0xc: {  	s16 =	sshll.u32 s5, $0x5;
	s18 =	sor.u32 $0x100, s5;
	s5 =	sor.u32 $0x180, s5  }
0xd: {  	s26 =	ssub.s32 s4, s24;
	s24 =	simm.s32 $0x3100;
	s6 =	sadd.s32 s0, s6  }
0xe: {  	s8 =	sshrl.u32 s7, $0x3;
	s17 =	sadd.s32 s1, s16;
	s19 =	sshrl.u32 s18, $0x3  }
0xf: {  	s7 =	sshll.u32 s7, $0x5;
	s21 =	sshrl.u32 s5, $0x3;
	s22 =	sshll.u32 s18, $0x5  }
0x10: {  	s5 =	sshll.u32 s5, $0x5;
	s4 =	smax.u32 s26, $0x1;
	s16 =	simm.s32 $0x4  }
0x11: {  	s18 =	simm.s32 $0x900;
	s26 =	simm.s32 $0x4100;
	[dreg:$0x4] =	wrdreg s6  }
0x12: {  	s15 =	sadd.s32 s0, s8;
	[dreg:$0x6] =	wrdreg s17;
	s6 =	sadd.s32 s0, s19  }
0x13: {  	s20 =	sadd.s32 s1, s7;
	s0 =	sadd.s32 s0, s21;
	[dreg:$0x5] =	wrdreg s15  }
0x14: {  	s23 =	sadd.s32 s1, s22;
	s25 =	sadd.s32 s1, s5;
	[dreg:$0x7] =	wrdreg s6  }
0x15: {  	s5 =	simm.s32 $0x5;
	s8 =	simm.s32 $0x1;
	[dreg:$0x8] =	wrdreg s20  }
0x16: {  	s19 =	simm.s32 $0x1100;
	s21 =	simm.s32 $0x2100;
	[dreg:$0x9] =	wrdreg s0  }
0x17: {  	v2 =	vlaneseq.u32;
	s22 =	simm.s32 $0x2900;
	s7 =	simm.s32 $0x7900;
	[dreg:$0xa] =	wrdreg s23  }
0x18: {  	vm0 =	vmmov $0xffff;
	v1 =	vshrl.u32 v2, $0x3;
	[dreg:$0xb] =	wrdreg s25;
	s15 =	simm.s32 $0x2;
	s20 =	simm.s32 $0x1900  }
0x19: {  	v0 =	vand.u32 $0x7, v2;
	v2 =	vor.u32 $0x8, v2;
	v1 =	vmul.u32 $0x8, v1;
	s25 =	simm.s32 $0x3900;
	s6 =	simm.s32 $0x6900;
	s23 =	simm.s32 $0xA900  }
.LBB2_1:
0x1a: {  	s17 =	rddreg [dreg:$0x4]  }
0x1b: {  	[tilespmem:s3], [sflag:$0x5] =	stream.linear.gather [hbm4b:s17+s3], $0x80, $0x38;
	[tilespmem:$0x10100] =	vst v63  }
0x1c: {  	_ =	swait.ge [sflag:s5], $0x80  }
0x1d: {  	[sflag:s5] =	ssyncset.done $0x0  }
0x1e: {  	[sflag:s5] =	ssyncadd.s32 $0xFFFFFF80  }
0x1f: {  	v3 =	vld [tilespmem:$0x0];
	_ =	sdelay $0x4  }
0x20: {  	v4 =	vshll.u32 v3, $0x1  }
0x21: {  	v3 =	vand.u32 $0x7, v3;
	v4 =	vand.u32 $0xFFFFFFF0, v4  }
0x22: {  	v3 =	vor.u32 v3, v4  }
0x23: {  	v4 =	vperm.xlane v3, v0;
	_ =	sdelay $0x1  }
0x24: {  	v3 =	vperm.xlane v3, v2;
	v4 =	vadd.s32 v1, v4;
	_ =	sdelay $0x1  }
0x25: {  	v3 =	vadd.s32 v1, v3;
	_ =	sdelay $0x1  }
0x26: {  	s0 =	simm.s32 $0x100  }
0x27: {  	[tilespmem:s0], [sflag:$0x1] =	stream.indirect_vreg.gather [hbm4b:s2+s3], $0x80, v4, vm0, $0xb8;
	[tilespmem:$0x10100] =	vst v63  }
0x28: {  	_ = 	snop  }
0x29: {  	[tilespmem:s18], [sflag:$0x1] =	stream.indirect_vreg.gather [hbm4b:s2+s3], $0x80, v3, vm0, $0xb8;
	[tilespmem:$0x10100] =	vst v63  }
0x2a: {  	v3 =	vld [tilespmem:$0x10];
	_ =	sdelay $0x4  }
0x2b: {  	v33 =	vshll.u32 v3, $0x1  }
0x2c: {  	v3 =	vand.u32 $0x7, v3;
	v4 =	vand.u32 $0xFFFFFFF0, v33  }
0x2d: {  	v3 =	vor.u32 v3, v4  }
0x2e: {  	v4 =	vperm.xlane v3, v0;
	_ =	sdelay $0x1  }
0x2f: {  	v3 =	vperm.xlane v3, v2;
	v4 =	vadd.s32 v1, v4;
	_ =	sdelay $0x1  }
0x30: {  	v3 =	vadd.s32 v1, v3;
	_ =	sdelay $0x2  }
0x31: {  	[tilespmem:s19], [sflag:$0x1] =	stream.indirect_vreg.gather [hbm4b:s2+s3], $0x80, v4, vm0, $0xb8;
	[tilespmem:$0x10100] =	vst v63  }
0x32: {  	_ = 	snop  }
0x33: {  	[tilespmem:s20], [sflag:$0x1] =	stream.indirect_vreg.gather [hbm4b:s2+s3], $0x80, v3, vm0, $0xb8;
	[tilespmem:$0x10100] =	vst v63  }
0x34: {  	v3 =	vld [tilespmem:$0x20];
	_ =	sdelay $0x4  }
0x35: {  	v34 =	vshll.u32 v3, $0x1  }
0x36: {  	v3 =	vand.u32 $0x7, v3;
	v4 =	vand.u32 $0xFFFFFFF0, v34  }
0x37: {  	v3 =	vor.u32 v3, v4  }
0x38: {  	v4 =	vperm.xlane v3, v0;
	_ =	sdelay $0x1  }
0x39: {  	v3 =	vperm.xlane v3, v2;
	v4 =	vadd.s32 v1, v4;
	_ =	sdelay $0x1  }
0x3a: {  	v3 =	vadd.s32 v1, v3;
	_ =	sdelay $0x2  }
0x3b: {  	[tilespmem:s21], [sflag:$0x1] =	stream.indirect_vreg.gather [hbm4b:s2+s3], $0x80, v4, vm0, $0xb8;
	[tilespmem:$0x10100] =	vst v63  }
0x3c: {  	_ = 	snop  }
0x3d: {  	[tilespmem:s22], [sflag:$0x1] =	stream.indirect_vreg.gather [hbm4b:s2+s3], $0x80, v3, vm0, $0xb8;
	[tilespmem:$0x10100] =	vst v63  }
0x3e: {  	v3 =	vld [tilespmem:$0x30];
	_ =	sdelay $0x4  }
0x3f: {  	v35 =	vshll.u32 v3, $0x1  }
0x40: {  	v3 =	vand.u32 $0x7, v3;
	v4 =	vand.u32 $0xFFFFFFF0, v35  }
0x41: {  	v3 =	vor.u32 v3, v4  }
0x42: {  	v4 =	vperm.xlane v3, v0;
	_ =	sdelay $0x1  }
0x43: {  	v3 =	vperm.xlane v3, v2;
	v4 =	vadd.s32 v1, v4;
	_ =	sdelay $0x1  }
0x44: {  	v3 =	vadd.s32 v1, v3;
	_ =	sdelay $0x2  }
0x45: {  	[tilespmem:s24], [sflag:$0x1] =	stream.indirect_vreg.gather [hbm4b:s2+s3], $0x80, v4, vm0, $0xb8;
	[tilespmem:$0x10100] =	vst v63  }
0x46: {  	_ = 	snop  }
0x47: {  	[tilespmem:s25], [sflag:$0x1] =	stream.indirect_vreg.gather [hbm4b:s2+s3], $0x80, v3, vm0, $0xb8;
	[tilespmem:$0x10100] =	vst v63  }
0x48: {  	v3 =	vld [tilespmem:$0x40];
	_ =	sdelay $0x4  }
0x49: {  	v36 =	vshll.u32 v3, $0x1  }
0x4a: {  	v3 =	vand.u32 $0x7, v3;
	v4 =	vand.u32 $0xFFFFFFF0, v36  }
0x4b: {  	v3 =	vor.u32 v3, v4  }
0x4c: {  	v4 =	vperm.xlane v3, v0;
	_ =	sdelay $0x1  }
0x4d: {  	v3 =	vperm.xlane v3, v2;
	v4 =	vadd.s32 v1, v4;
	_ =	sdelay $0x1  }
0x4e: {  	v3 =	vadd.s32 v1, v3;
	_ =	sdelay $0x2  }
0x4f: {  	[tilespmem:s26], [sflag:$0x1] =	stream.indirect_vreg.gather [hbm4b:s2+s3], $0x80, v4, vm0, $0xb8;
	[tilespmem:$0x10100] =	vst v63  }
0x50: {  	_ = 	snop  }
0x51: {  	[tilespmem:s28], [sflag:$0x1] =	stream.indirect_vreg.gather [hbm4b:s2+s3], $0x80, v3, vm0, $0xb8;
	[tilespmem:$0x10100] =	vst v63  }
0x52: {  	v3 =	vld [tilespmem:$0x50];
	_ =	sdelay $0x4  }
0x53: {  	v37 =	vshll.u32 v3, $0x1  }
0x54: {  	v3 =	vand.u32 $0x7, v3;
	v4 =	vand.u32 $0xFFFFFFF0, v37  }
0x55: {  	v3 =	vor.u32 v3, v4  }
0x56: {  	v4 =	vperm.xlane v3, v0;
	_ =	sdelay $0x1  }
0x57: {  	v3 =	vperm.xlane v3, v2;
	v4 =	vadd.s32 v1, v4;
	_ =	sdelay $0x1  }
0x58: {  	v3 =	vadd.s32 v1, v3;
	_ =	sdelay $0x2  }
0x59: {  	[tilespmem:s29], [sflag:$0x1] =	stream.indirect_vreg.gather [hbm4b:s2+s3], $0x80, v4, vm0, $0xb8;
	[tilespmem:$0x10100] =	vst v63  }
0x5a: {  	_ = 	snop  }
0x5b: {  	[tilespmem:s30], [sflag:$0x1] =	stream.indirect_vreg.gather [hbm4b:s2+s3], $0x80, v3, vm0, $0xb8;
	[tilespmem:$0x10100] =	vst v63  }
0x5c: {  	v3 =	vld [tilespmem:$0x60];
	_ =	sdelay $0x4  }
0x5d: {  	v38 =	vshll.u32 v3, $0x1  }
0x5e: {  	v3 =	vand.u32 $0x7, v3;
	v4 =	vand.u32 $0xFFFFFFF0, v38  }
0x5f: {  	v3 =	vor.u32 v3, v4  }
0x60: {  	v4 =	vperm.xlane v3, v0;
	_ =	sdelay $0x1  }
0x61: {  	v3 =	vperm.xlane v3, v2;
	v4 =	vadd.s32 v1, v4;
	_ =	sdelay $0x1  }
0x62: {  	v3 =	vadd.s32 v1, v3;
	_ =	sdelay $0x2  }
0x63: {  	[tilespmem:s31], [sflag:$0x1] =	stream.indirect_vreg.gather [hbm4b:s2+s3], $0x80, v4, vm0, $0xb8;
	[tilespmem:$0x10100] =	vst v63  }
0x64: {  	_ = 	snop  }
0x65: {  	[tilespmem:s6], [sflag:$0x1] =	stream.indirect_vreg.gather [hbm4b:s2+s3], $0x80, v3, vm0, $0xb8;
	[tilespmem:$0x10100] =	vst v63  }
0x66: {  	v3 =	vld [tilespmem:$0x70];
	_ =	sdelay $0x4  }
0x67: {  	v39 =	vshll.u32 v3, $0x1  }
0x68: {  	v3 =	vand.u32 $0x7, v3;
	v4 =	vand.u32 $0xFFFFFFF0, v39  }
0x69: {  	v3 =	vor.u32 v3, v4  }
0x6a: {  	v4 =	vperm.xlane v3, v0;
	_ =	sdelay $0x1  }
0x6b: {  	v3 =	vperm.xlane v3, v2;
	v4 =	vadd.s32 v1, v4;
	_ =	sdelay $0x1  }
0x6c: {  	v3 =	vadd.s32 v1, v3;
	_ =	sdelay $0x1  }
0x6d: {  	s1 =	simm.s32 $0x7100  }
0x6e: {  	[tilespmem:s1], [sflag:$0x1] =	stream.indirect_vreg.gather [hbm4b:s2+s3], $0x80, v4, vm0, $0xb8;
	[tilespmem:$0x10100] =	vst v63  }
0x6f: {  	_ = 	snop  }
0x70: {  	[tilespmem:s7], [sflag:$0x1] =	stream.indirect_vreg.gather [hbm4b:s2+s3], $0x80, v3, vm0, $0xb8;
	[tilespmem:$0x10100] =	vst v63  }
0x71: {  	s13 =	simm.s32 $0x80;
	s0 =	rddreg [dreg:$0x5]  }
0x72: {  	[tilespmem:s13], [sflag:$0x5] =	stream.linear.gather [hbm4b:s0+s3], $0x80, $0x38;
	[tilespmem:$0x10100] =	vst v63  }
0x73: {  	_ =	swait.ge [sflag:s5], $0x80  }
0x74: {  	[sflag:s5] =	ssyncset.done $0x0  }
0x75: {  	[sflag:s5] =	ssyncadd.s32 $0xFFFFFF80  }
0x76: {  	v3 =	vld [tilespmem:$0x80];
	_ =	sdelay $0x4  }
0x77: {  	v40 =	vshll.u32 v3, $0x1  }
0x78: {  	v3 =	vand.u32 $0x7, v3;
	v4 =	vand.u32 $0xFFFFFFF0, v40  }
0x79: {  	v3 =	vor.u32 v3, v4  }
0x7a: {  	v4 =	vperm.xlane v3, v0;
	_ =	sdelay $0x1  }
0x7b: {  	v3 =	vperm.xlane v3, v2;
	v4 =	vadd.s32 v1, v4;
	_ =	sdelay $0x1  }
0x7c: {  	v3 =	vadd.s32 v1, v3;
	_ =	sdelay $0x1  }
0x7d: {  	s0 =	simm.s32 $0x8100  }
0x7e: {  	[tilespmem:s0], [sflag:$0x2] =	stream.indirect_vreg.gather [hbm4b:s2+s3], $0x80, v4, vm0, $0xb8;
	[tilespmem:$0x10100] =	vst v63  }
0x7f: {  	_ = 	snop  }
0x80: {  	[tilespmem:s9], [sflag:$0x2] =	stream.indirect_vreg.gather [hbm4b:s2+s3], $0x80, v3, vm0, $0xb8;
	[tilespmem:$0x10100] =	vst v63  }
0x81: {  	v3 =	vld [tilespmem:$0x90];
	_ =	sdelay $0x4  }
0x82: {  	v41 =	vshll.u32 v3, $0x1  }
0x83: {  	v3 =	vand.u32 $0x7, v3;
	v4 =	vand.u32 $0xFFFFFFF0, v41  }
0x84: {  	v3 =	vor.u32 v3, v4  }
0x85: {  	v4 =	vperm.xlane v3, v0;
	_ =	sdelay $0x1  }
0x86: {  	v3 =	vperm.xlane v3, v2;
	v4 =	vadd.s32 v1, v4;
	_ =	sdelay $0x1  }
0x87: {  	v3 =	vadd.s32 v1, v3;
	_ =	sdelay $0x2  }
0x88: {  	[tilespmem:s10], [sflag:$0x2] =	stream.indirect_vreg.gather [hbm4b:s2+s3], $0x80, v4, vm0, $0xb8;
	[tilespmem:$0x10100] =	vst v63  }
0x89: {  	_ = 	snop  }
0x8a: {  	[tilespmem:s11], [sflag:$0x2] =	stream.indirect_vreg.gather [hbm4b:s2+s3], $0x80, v3, vm0, $0xb8;
	[tilespmem:$0x10100] =	vst v63  }
0x8b: {  	v3 =	vld [tilespmem:$0xA0];
	_ =	sdelay $0x4  }
0x8c: {  	v42 =	vshll.u32 v3, $0x1  }
0x8d: {  	v3 =	vand.u32 $0x7, v3;
	v4 =	vand.u32 $0xFFFFFFF0, v42  }
0x8e: {  	v3 =	vor.u32 v3, v4  }
0x8f: {  	v4 =	vperm.xlane v3, v0;
	_ =	sdelay $0x1  }
0x90: {  	v3 =	vperm.xlane v3, v2;
	v4 =	vadd.s32 v1, v4;
	_ =	sdelay $0x1  }
0x91: {  	v3 =	vadd.s32 v1, v3;
	_ =	sdelay $0x2  }
0x92: {  	[tilespmem:s12], [sflag:$0x2] =	stream.indirect_vreg.gather [hbm4b:s2+s3], $0x80, v4, vm0, $0xb8;
	[tilespmem:$0x10100] =	vst v63  }
0x93: {  	_ = 	snop  }
0x94: {  	[tilespmem:s23], [sflag:$0x2] =	stream.indirect_vreg.gather [hbm4b:s2+s3], $0x80, v3, vm0, $0xb8;
	[tilespmem:$0x10100] =	vst v63  }
0x95: {  	v3 =	vld [tilespmem:$0xB0];
	_ =	sdelay $0x4  }
0x96: {  	v43 =	vshll.u32 v3, $0x1  }
0x97: {  	v3 =	vand.u32 $0x7, v3;
	v4 =	vand.u32 $0xFFFFFFF0, v43  }
0x98: {  	v3 =	vor.u32 v3, v4  }
0x99: {  	v4 =	vperm.xlane v3, v0;
	_ =	sdelay $0x1  }
0x9a: {  	v3 =	vperm.xlane v3, v2;
	v4 =	vadd.s32 v1, v4;
	_ =	sdelay $0x1  }
0x9b: {  	v3 =	vadd.s32 v1, v3;
	_ =	sdelay $0x1  }
0x9c: {  	s13 =	simm.s32 $0xB100  }
0x9d: {  	[tilespmem:s13], [sflag:$0x2] =	stream.indirect_vreg.gather [hbm4b:s2+s3], $0x80, v4, vm0, $0xb8;
	[tilespmem:$0x10100] =	vst v63  }
0x9e: {  	s17 =	simm.s32 $0xB900  }
0x9f: {  	[tilespmem:s17], [sflag:$0x2] =	stream.indirect_vreg.gather [hbm4b:s2+s3], $0x80, v3, vm0, $0xb8;
	[tilespmem:$0x10100] =	vst v63  }
0xa0: {  	v3 =	vld [tilespmem:$0xC0];
	_ =	sdelay $0x4  }
0xa1: {  	v44 =	vshll.u32 v3, $0x1  }
0xa2: {  	v3 =	vand.u32 $0x7, v3;
	v4 =	vand.u32 $0xFFFFFFF0, v44  }
0xa3: {  	v3 =	vor.u32 v3, v4  }
0xa4: {  	v4 =	vperm.xlane v3, v0;
	_ =	sdelay $0x1  }
0xa5: {  	v3 =	vperm.xlane v3, v2;
	v4 =	vadd.s32 v1, v4;
	_ =	sdelay $0x1  }
0xa6: {  	v3 =	vadd.s32 v1, v3;
	_ =	sdelay $0x1  }
0xa7: {  	s17 =	simm.s32 $0xC100  }
0xa8: {  	[tilespmem:s17], [sflag:$0x2] =	stream.indirect_vreg.gather [hbm4b:s2+s3], $0x80, v4, vm0, $0xb8;
	[tilespmem:$0x10100] =	vst v63  }
0xa9: {  	s17 =	simm.s32 $0xC900  }
0xaa: {  	[tilespmem:s17], [sflag:$0x2] =	stream.indirect_vreg.gather [hbm4b:s2+s3], $0x80, v3, vm0, $0xb8;
	[tilespmem:$0x10100] =	vst v63  }
0xab: {  	v3 =	vld [tilespmem:$0xD0];
	_ =	sdelay $0x4  }
0xac: {  	v45 =	vshll.u32 v3, $0x1  }
0xad: {  	v3 =	vand.u32 $0x7, v3;
	v4 =	vand.u32 $0xFFFFFFF0, v45  }
0xae: {  	v3 =	vor.u32 v3, v4  }
0xaf: {  	v4 =	vperm.xlane v3, v0;
	_ =	sdelay $0x1  }
0xb0: {  	v3 =	vperm.xlane v3, v2;
	v4 =	vadd.s32 v1, v4;
	_ =	sdelay $0x1  }
0xb1: {  	v3 =	vadd.s32 v1, v3;
	_ =	sdelay $0x1  }
0xb2: {  	s17 =	simm.s32 $0xD100  }
0xb3: {  	[tilespmem:s17], [sflag:$0x2] =	stream.indirect_vreg.gather [hbm4b:s2+s3], $0x80, v4, vm0, $0xb8;
	[tilespmem:$0x10100] =	vst v63  }
0xb4: {  	s17 =	simm.s32 $0xD900  }
0xb5: {  	[tilespmem:s17], [sflag:$0x2] =	stream.indirect_vreg.gather [hbm4b:s2+s3], $0x80, v3, vm0, $0xb8;
	[tilespmem:$0x10100] =	vst v63  }
0xb6: {  	v3 =	vld [tilespmem:$0xE0];
	_ =	sdelay $0x4  }
0xb7: {  	v46 =	vshll.u32 v3, $0x1  }
0xb8: {  	v3 =	vand.u32 $0x7, v3;
	v4 =	vand.u32 $0xFFFFFFF0, v46  }
0xb9: {  	v3 =	vor.u32 v3, v4  }
0xba: {  	v4 =	vperm.xlane v3, v0;
	_ =	sdelay $0x1  }
0xbb: {  	v3 =	vperm.xlane v3, v2;
	v4 =	vadd.s32 v1, v4;
	_ =	sdelay $0x1  }
0xbc: {  	v3 =	vadd.s32 v1, v3;
	_ =	sdelay $0x1  }
0xbd: {  	s17 =	simm.s32 $0xE100  }
0xbe: {  	[tilespmem:s17], [sflag:$0x2] =	stream.indirect_vreg.gather [hbm4b:s2+s3], $0x80, v4, vm0, $0xb8;
	[tilespmem:$0x10100] =	vst v63  }
0xbf: {  	s17 =	simm.s32 $0xE900  }
0xc0: {  	[tilespmem:s17], [sflag:$0x2] =	stream.indirect_vreg.gather [hbm4b:s2+s3], $0x80, v3, vm0, $0xb8;
	[tilespmem:$0x10100] =	vst v63  }
0xc1: {  	v3 =	vld [tilespmem:$0xF0];
	_ =	sdelay $0x4  }
0xc2: {  	v47 =	vshll.u32 v3, $0x1  }
0xc3: {  	v3 =	vand.u32 $0x7, v3;
	v4 =	vand.u32 $0xFFFFFFF0, v47  }
0xc4: {  	v3 =	vor.u32 v3, v4  }
0xc5: {  	v4 =	vperm.xlane v3, v0;
	_ =	sdelay $0x1  }
0xc6: {  	v3 =	vperm.xlane v3, v2;
	v4 =	vadd.s32 v1, v4;
	_ =	sdelay $0x1  }
0xc7: {  	v3 =	vadd.s32 v1, v3;
	_ =	sdelay $0x1  }
0xc8: {  	s17 =	simm.s32 $0xF100  }
0xc9: {  	[tilespmem:s17], [sflag:$0x2] =	stream.indirect_vreg.gather [hbm4b:s2+s3], $0x80, v4, vm0, $0xb8;
	[tilespmem:$0x10100] =	vst v63  }
0xca: {  	s17 =	simm.s32 $0xF900  }
0xcb: {  	[tilespmem:s17], [sflag:$0x2] =	stream.indirect_vreg.gather [hbm4b:s2+s3], $0x80, v3, vm0, $0xb8;
	[tilespmem:$0x10100] =	vst v63  }
0xcc: {  	_ =	swait.ge [sflag:s8], $0x8000  }
0xcd: {  	[sflag:s8] =	ssyncset.done $0x0  }
0xce: {  	s13 =	simm.s32 $0x100;
	s17 =	rddreg [dreg:$0x6];
	[sflag:s8] =	ssyncadd.s32 $0xFFFF8000  }
0xcf: {  	[hbm4b:s17+s3] =	stream.linear.scatter [tilespmem:s13], [sflag:$0x3], $0x8000, $0x38;
	[tilespmem:$0x10100] =	vst v63  }
0xd0: {  	_ =	swait.ge [sflag:s14], $0x8000  }
0xd1: {  	[sflag:s14] =	ssyncset.done $0x0  }
0xd2: {  	s17 =	rddreg [dreg:$0x7];
	[sflag:s14] =	ssyncadd.s32 $0xFFFF8000  }
0xd3: {  	[tilespmem:s3], [sflag:$0x5] =	stream.linear.gather [hbm4b:s17+s3], $0x80, $0x38;
	[tilespmem:$0x10100] =	vst v63  }
0xd4: {  	_ =	swait.ge [sflag:s5], $0x80  }
0xd5: {  	[sflag:s5] =	ssyncset.done $0x0  }
0xd6: {  	[sflag:s5] =	ssyncadd.s32 $0xFFFFFF80  }
0xd7: {  	v3 =	vld [tilespmem:$0x0];
	_ =	sdelay $0x4  }
0xd8: {  	v48 =	vshll.u32 v3, $0x1  }
0xd9: {  	v3 =	vand.u32 $0x7, v3;
	v4 =	vand.u32 $0xFFFFFFF0, v48  }
0xda: {  	v3 =	vor.u32 v3, v4  }
0xdb: {  	v4 =	vperm.xlane v3, v0;
	_ =	sdelay $0x1  }
0xdc: {  	v3 =	vperm.xlane v3, v2;
	v4 =	vadd.s32 v1, v4;
	_ =	sdelay $0x1  }
0xdd: {  	v3 =	vadd.s32 v1, v3;
	_ =	sdelay $0x2  }
0xde: {  	[tilespmem:s13], [sflag:$0x1] =	stream.indirect_vreg.gather [hbm4b:s2+s3], $0x80, v4, vm0, $0xb8;
	[tilespmem:$0x10100] =	vst v63  }
0xdf: {  	_ = 	snop  }
0xe0: {  	[tilespmem:s18], [sflag:$0x1] =	stream.indirect_vreg.gather [hbm4b:s2+s3], $0x80, v3, vm0, $0xb8;
	[tilespmem:$0x10100] =	vst v63  }
0xe1: {  	v3 =	vld [tilespmem:$0x10];
	_ =	sdelay $0x4  }
0xe2: {  	v49 =	vshll.u32 v3, $0x1  }
0xe3: {  	v3 =	vand.u32 $0x7, v3;
	v4 =	vand.u32 $0xFFFFFFF0, v49  }
0xe4: {  	v3 =	vor.u32 v3, v4  }
0xe5: {  	v4 =	vperm.xlane v3, v0;
	_ =	sdelay $0x1  }
0xe6: {  	v3 =	vperm.xlane v3, v2;
	v4 =	vadd.s32 v1, v4;
	_ =	sdelay $0x1  }
0xe7: {  	v3 =	vadd.s32 v1, v3;
	_ =	sdelay $0x2  }
0xe8: {  	[tilespmem:s19], [sflag:$0x1] =	stream.indirect_vreg.gather [hbm4b:s2+s3], $0x80, v4, vm0, $0xb8;
	[tilespmem:$0x10100] =	vst v63  }
0xe9: {  	_ = 	snop  }
0xea: {  	[tilespmem:s20], [sflag:$0x1] =	stream.indirect_vreg.gather [hbm4b:s2+s3], $0x80, v3, vm0, $0xb8;
	[tilespmem:$0x10100] =	vst v63  }
0xeb: {  	v3 =	vld [tilespmem:$0x20];
	_ =	sdelay $0x4  }
0xec: {  	v50 =	vshll.u32 v3, $0x1  }
0xed: {  	v3 =	vand.u32 $0x7, v3;
	v4 =	vand.u32 $0xFFFFFFF0, v50  }
0xee: {  	v3 =	vor.u32 v3, v4  }
0xef: {  	v4 =	vperm.xlane v3, v0;
	_ =	sdelay $0x1  }
0xf0: {  	v3 =	vperm.xlane v3, v2;
	v4 =	vadd.s32 v1, v4;
	_ =	sdelay $0x1  }
0xf1: {  	v3 =	vadd.s32 v1, v3;
	_ =	sdelay $0x2  }
0xf2: {  	[tilespmem:s21], [sflag:$0x1] =	stream.indirect_vreg.gather [hbm4b:s2+s3], $0x80, v4, vm0, $0xb8;
	[tilespmem:$0x10100] =	vst v63  }
0xf3: {  	_ = 	snop  }
0xf4: {  	[tilespmem:s22], [sflag:$0x1] =	stream.indirect_vreg.gather [hbm4b:s2+s3], $0x80, v3, vm0, $0xb8;
	[tilespmem:$0x10100] =	vst v63  }
0xf5: {  	v3 =	vld [tilespmem:$0x30];
	_ =	sdelay $0x4  }
0xf6: {  	v51 =	vshll.u32 v3, $0x1  }
0xf7: {  	v3 =	vand.u32 $0x7, v3;
	v4 =	vand.u32 $0xFFFFFFF0, v51  }
0xf8: {  	v3 =	vor.u32 v3, v4  }
0xf9: {  	v4 =	vperm.xlane v3, v0;
	_ =	sdelay $0x1  }
0xfa: {  	v3 =	vperm.xlane v3, v2;
	v4 =	vadd.s32 v1, v4;
	_ =	sdelay $0x1  }
0xfb: {  	v3 =	vadd.s32 v1, v3;
	_ =	sdelay $0x2  }
0xfc: {  	[tilespmem:s24], [sflag:$0x1] =	stream.indirect_vreg.gather [hbm4b:s2+s3], $0x80, v4, vm0, $0xb8;
	[tilespmem:$0x10100] =	vst v63  }
0xfd: {  	_ = 	snop  }
0xfe: {  	[tilespmem:s25], [sflag:$0x1] =	stream.indirect_vreg.gather [hbm4b:s2+s3], $0x80, v3, vm0, $0xb8;
	[tilespmem:$0x10100] =	vst v63  }
0xff: {  	v3 =	vld [tilespmem:$0x40];
	_ =	sdelay $0x4  }
0x100: {  	v52 =	vshll.u32 v3, $0x1  }
0x101: {  	v3 =	vand.u32 $0x7, v3;
	v4 =	vand.u32 $0xFFFFFFF0, v52  }
0x102: {  	v3 =	vor.u32 v3, v4  }
0x103: {  	v4 =	vperm.xlane v3, v0;
	_ =	sdelay $0x1  }
0x104: {  	v3 =	vperm.xlane v3, v2;
	v4 =	vadd.s32 v1, v4;
	_ =	sdelay $0x1  }
0x105: {  	v3 =	vadd.s32 v1, v3;
	_ =	sdelay $0x2  }
0x106: {  	[tilespmem:s26], [sflag:$0x1] =	stream.indirect_vreg.gather [hbm4b:s2+s3], $0x80, v4, vm0, $0xb8;
	[tilespmem:$0x10100] =	vst v63  }
0x107: {  	_ = 	snop  }
0x108: {  	[tilespmem:s28], [sflag:$0x1] =	stream.indirect_vreg.gather [hbm4b:s2+s3], $0x80, v3, vm0, $0xb8;
	[tilespmem:$0x10100] =	vst v63  }
0x109: {  	v3 =	vld [tilespmem:$0x50];
	_ =	sdelay $0x4  }
0x10a: {  	v53 =	vshll.u32 v3, $0x1  }
0x10b: {  	v3 =	vand.u32 $0x7, v3;
	v4 =	vand.u32 $0xFFFFFFF0, v53  }
0x10c: {  	v3 =	vor.u32 v3, v4  }
0x10d: {  	v4 =	vperm.xlane v3, v0;
	_ =	sdelay $0x1  }
0x10e: {  	v3 =	vperm.xlane v3, v2;
	v4 =	vadd.s32 v1, v4;
	_ =	sdelay $0x1  }
0x10f: {  	v3 =	vadd.s32 v1, v3;
	_ =	sdelay $0x2  }
0x110: {  	[tilespmem:s29], [sflag:$0x1] =	stream.indirect_vreg.gather [hbm4b:s2+s3], $0x80, v4, vm0, $0xb8;
	[tilespmem:$0x10100] =	vst v63  }
0x111: {  	_ = 	snop  }
0x112: {  	[tilespmem:s30], [sflag:$0x1] =	stream.indirect_vreg.gather [hbm4b:s2+s3], $0x80, v3, vm0, $0xb8;
	[tilespmem:$0x10100] =	vst v63  }
0x113: {  	v3 =	vld [tilespmem:$0x60];
	_ =	sdelay $0x4  }
0x114: {  	v54 =	vshll.u32 v3, $0x1  }
0x115: {  	v3 =	vand.u32 $0x7, v3;
	v4 =	vand.u32 $0xFFFFFFF0, v54  }
0x116: {  	v3 =	vor.u32 v3, v4  }
0x117: {  	v4 =	vperm.xlane v3, v0;
	_ =	sdelay $0x1  }
0x118: {  	v3 =	vperm.xlane v3, v2;
	v4 =	vadd.s32 v1, v4;
	_ =	sdelay $0x1  }
0x119: {  	v3 =	vadd.s32 v1, v3;
	_ =	sdelay $0x2  }
0x11a: {  	[tilespmem:s31], [sflag:$0x1] =	stream.indirect_vreg.gather [hbm4b:s2+s3], $0x80, v4, vm0, $0xb8;
	[tilespmem:$0x10100] =	vst v63  }
0x11b: {  	_ = 	snop  }
0x11c: {  	[tilespmem:s6], [sflag:$0x1] =	stream.indirect_vreg.gather [hbm4b:s2+s3], $0x80, v3, vm0, $0xb8;
	[tilespmem:$0x10100] =	vst v63  }
0x11d: {  	v3 =	vld [tilespmem:$0x70];
	_ =	sdelay $0x4  }
0x11e: {  	v55 =	vshll.u32 v3, $0x1  }
0x11f: {  	v3 =	vand.u32 $0x7, v3;
	v4 =	vand.u32 $0xFFFFFFF0, v55  }
0x120: {  	v3 =	vor.u32 v3, v4  }
0x121: {  	v4 =	vperm.xlane v3, v0;
	_ =	sdelay $0x1  }
0x122: {  	v3 =	vperm.xlane v3, v2;
	v4 =	vadd.s32 v1, v4;
	_ =	sdelay $0x1  }
0x123: {  	v3 =	vadd.s32 v1, v3;
	_ =	sdelay $0x2  }
0x124: {  	[tilespmem:s1], [sflag:$0x1] =	stream.indirect_vreg.gather [hbm4b:s2+s3], $0x80, v4, vm0, $0xb8;
	[tilespmem:$0x10100] =	vst v63  }
0x125: {  	_ = 	snop  }
0x126: {  	[tilespmem:s7], [sflag:$0x1] =	stream.indirect_vreg.gather [hbm4b:s2+s3], $0x80, v3, vm0, $0xb8;
	[tilespmem:$0x10100] =	vst v63  }
0x127: {  	_ =	swait.ge [sflag:s15], $0x8000  }
0x128: {  	[sflag:s15] =	ssyncset.done $0x0  }
0x129: {  	s1 =	rddreg [dreg:$0x8];
	[sflag:s15] =	ssyncadd.s32 $0xFFFF8000  }
0x12a: {  	[hbm4b:s1+s3] =	stream.linear.scatter [tilespmem:s0], [sflag:$0x4], $0x8000, $0x38;
	[tilespmem:$0x10100] =	vst v63  }
0x12b: {  	_ =	swait.ge [sflag:s16], $0x8000  }
0x12c: {  	[sflag:s16] =	ssyncset.done $0x0  }
0x12d: {  	s1 =	simm.s32 $0x80;
	s17 =	rddreg [dreg:$0x9];
	[sflag:s16] =	ssyncadd.s32 $0xFFFF8000  }
0x12e: {  	[tilespmem:s1], [sflag:$0x5] =	stream.linear.gather [hbm4b:s17+s3], $0x80, $0x38;
	[tilespmem:$0x10100] =	vst v63  }
0x12f: {  	_ =	swait.ge [sflag:s5], $0x80  }
0x130: {  	[sflag:s5] =	ssyncset.done $0x0  }
0x131: {  	[sflag:s5] =	ssyncadd.s32 $0xFFFFFF80  }
0x132: {  	v3 =	vld [tilespmem:$0x80];
	_ =	sdelay $0x4  }
0x133: {  	v56 =	vshll.u32 v3, $0x1  }
0x134: {  	v3 =	vand.u32 $0x7, v3;
	v4 =	vand.u32 $0xFFFFFFF0, v56  }
0x135: {  	v3 =	vor.u32 v3, v4  }
0x136: {  	v4 =	vperm.xlane v3, v0;
	_ =	sdelay $0x1  }
0x137: {  	v3 =	vperm.xlane v3, v2;
	v4 =	vadd.s32 v1, v4;
	_ =	sdelay $0x1  }
0x138: {  	v3 =	vadd.s32 v1, v3;
	_ =	sdelay $0x2  }
0x139: {  	[tilespmem:s0], [sflag:$0x2] =	stream.indirect_vreg.gather [hbm4b:s2+s3], $0x80, v4, vm0, $0xb8;
	[tilespmem:$0x10100] =	vst v63  }
0x13a: {  	_ = 	snop  }
0x13b: {  	[tilespmem:s9], [sflag:$0x2] =	stream.indirect_vreg.gather [hbm4b:s2+s3], $0x80, v3, vm0, $0xb8;
	[tilespmem:$0x10100] =	vst v63  }
0x13c: {  	v3 =	vld [tilespmem:$0x90];
	_ =	sdelay $0x4  }
0x13d: {  	v57 =	vshll.u32 v3, $0x1  }
0x13e: {  	v3 =	vand.u32 $0x7, v3;
	v4 =	vand.u32 $0xFFFFFFF0, v57  }
0x13f: {  	v3 =	vor.u32 v3, v4  }
0x140: {  	v4 =	vperm.xlane v3, v0;
	_ =	sdelay $0x1  }
0x141: {  	v3 =	vperm.xlane v3, v2;
	v4 =	vadd.s32 v1, v4;
	_ =	sdelay $0x1  }
0x142: {  	v3 =	vadd.s32 v1, v3;
	_ =	sdelay $0x2  }
0x143: {  	[tilespmem:s10], [sflag:$0x2] =	stream.indirect_vreg.gather [hbm4b:s2+s3], $0x80, v4, vm0, $0xb8;
	[tilespmem:$0x10100] =	vst v63  }
0x144: {  	_ = 	snop  }
0x145: {  	[tilespmem:s11], [sflag:$0x2] =	stream.indirect_vreg.gather [hbm4b:s2+s3], $0x80, v3, vm0, $0xb8;
	[tilespmem:$0x10100] =	vst v63  }
0x146: {  	v3 =	vld [tilespmem:$0xA0];
	_ =	sdelay $0x4  }
0x147: {  	v58 =	vshll.u32 v3, $0x1  }
0x148: {  	v3 =	vand.u32 $0x7, v3;
	v4 =	vand.u32 $0xFFFFFFF0, v58  }
0x149: {  	v3 =	vor.u32 v3, v4  }
0x14a: {  	v4 =	vperm.xlane v3, v0;
	_ =	sdelay $0x1  }
0x14b: {  	v3 =	vperm.xlane v3, v2;
	v4 =	vadd.s32 v1, v4;
	_ =	sdelay $0x1  }
0x14c: {  	v3 =	vadd.s32 v1, v3;
	_ =	sdelay $0x2  }
0x14d: {  	[tilespmem:s12], [sflag:$0x2] =	stream.indirect_vreg.gather [hbm4b:s2+s3], $0x80, v4, vm0, $0xb8;
	[tilespmem:$0x10100] =	vst v63  }
0x14e: {  	_ = 	snop  }
0x14f: {  	[tilespmem:s23], [sflag:$0x2] =	stream.indirect_vreg.gather [hbm4b:s2+s3], $0x80, v3, vm0, $0xb8;
	[tilespmem:$0x10100] =	vst v63  }
0x150: {  	v3 =	vld [tilespmem:$0xB0];
	_ =	sdelay $0x4  }
0x151: {  	v59 =	vshll.u32 v3, $0x1  }
0x152: {  	v3 =	vand.u32 $0x7, v3;
	v4 =	vand.u32 $0xFFFFFFF0, v59  }
0x153: {  	v3 =	vor.u32 v3, v4  }
0x154: {  	v4 =	vperm.xlane v3, v0;
	_ =	sdelay $0x1  }
0x155: {  	v3 =	vperm.xlane v3, v2;
	v4 =	vadd.s32 v1, v4;
	_ =	sdelay $0x1  }
0x156: {  	v3 =	vadd.s32 v1, v3;
	_ =	sdelay $0x1  }
0x157: {  	s17 =	simm.s32 $0xB100  }
0x158: {  	[tilespmem:s17], [sflag:$0x2] =	stream.indirect_vreg.gather [hbm4b:s2+s3], $0x80, v4, vm0, $0xb8;
	[tilespmem:$0x10100] =	vst v63  }
0x159: {  	s17 =	simm.s32 $0xB900  }
0x15a: {  	[tilespmem:s17], [sflag:$0x2] =	stream.indirect_vreg.gather [hbm4b:s2+s3], $0x80, v3, vm0, $0xb8;
	[tilespmem:$0x10100] =	vst v63  }
0x15b: {  	v3 =	vld [tilespmem:$0xC0];
	_ =	sdelay $0x4  }
0x15c: {  	v60 =	vshll.u32 v3, $0x1  }
0x15d: {  	v3 =	vand.u32 $0x7, v3;
	v4 =	vand.u32 $0xFFFFFFF0, v60  }
0x15e: {  	v3 =	vor.u32 v3, v4  }
0x15f: {  	v4 =	vperm.xlane v3, v0;
	_ =	sdelay $0x1  }
0x160: {  	v3 =	vperm.xlane v3, v2;
	v4 =	vadd.s32 v1, v4;
	_ =	sdelay $0x1  }
0x161: {  	v3 =	vadd.s32 v1, v3;
	_ =	sdelay $0x1  }
0x162: {  	s17 =	simm.s32 $0xC100  }
0x163: {  	[tilespmem:s17], [sflag:$0x2] =	stream.indirect_vreg.gather [hbm4b:s2+s3], $0x80, v4, vm0, $0xb8;
	[tilespmem:$0x10100] =	vst v63  }
0x164: {  	s17 =	simm.s32 $0xC900  }
0x165: {  	[tilespmem:s17], [sflag:$0x2] =	stream.indirect_vreg.gather [hbm4b:s2+s3], $0x80, v3, vm0, $0xb8;
	[tilespmem:$0x10100] =	vst v63  }
0x166: {  	v3 =	vld [tilespmem:$0xD0];
	_ =	sdelay $0x4  }
0x167: {  	v61 =	vshll.u32 v3, $0x1  }
0x168: {  	v3 =	vand.u32 $0x7, v3;
	v4 =	vand.u32 $0xFFFFFFF0, v61  }
0x169: {  	v3 =	vor.u32 v3, v4  }
0x16a: {  	v4 =	vperm.xlane v3, v0;
	_ =	sdelay $0x1  }
0x16b: {  	v3 =	vperm.xlane v3, v2;
	v4 =	vadd.s32 v1, v4;
	_ =	sdelay $0x1  }
0x16c: {  	v3 =	vadd.s32 v1, v3;
	_ =	sdelay $0x1  }
0x16d: {  	s17 =	simm.s32 $0xD100  }
0x16e: {  	[tilespmem:s17], [sflag:$0x2] =	stream.indirect_vreg.gather [hbm4b:s2+s3], $0x80, v4, vm0, $0xb8;
	[tilespmem:$0x10100] =	vst v63  }
0x16f: {  	s17 =	simm.s32 $0xD900  }
0x170: {  	[tilespmem:s17], [sflag:$0x2] =	stream.indirect_vreg.gather [hbm4b:s2+s3], $0x80, v3, vm0, $0xb8;
	[tilespmem:$0x10100] =	vst v63  }
0x171: {  	v3 =	vld [tilespmem:$0xE0];
	_ =	sdelay $0x4  }
0x172: {  	v62 =	vshll.u32 v3, $0x1  }
0x173: {  	v3 =	vand.u32 $0x7, v3;
	v4 =	vand.u32 $0xFFFFFFF0, v62  }
0x174: {  	v3 =	vor.u32 v3, v4  }
0x175: {  	v4 =	vperm.xlane v3, v0;
	_ =	sdelay $0x1  }
0x176: {  	v3 =	vperm.xlane v3, v2;
	v4 =	vadd.s32 v1, v4;
	_ =	sdelay $0x1  }
0x177: {  	v3 =	vadd.s32 v1, v3;
	_ =	sdelay $0x1  }
0x178: {  	s17 =	simm.s32 $0xE100  }
0x179: {  	[tilespmem:s17], [sflag:$0x2] =	stream.indirect_vreg.gather [hbm4b:s2+s3], $0x80, v4, vm0, $0xb8;
	[tilespmem:$0x10100] =	vst v63  }
0x17a: {  	s17 =	simm.s32 $0xE900  }
0x17b: {  	[tilespmem:s17], [sflag:$0x2] =	stream.indirect_vreg.gather [hbm4b:s2+s3], $0x80, v3, vm0, $0xb8;
	[tilespmem:$0x10100] =	vst v63  }
0x17c: {  	v3 =	vld [tilespmem:$0xF0];
	_ =	sdelay $0x4  }
0x17d: {  	v63 =	vshll.u32 v3, $0x1  }
0x17e: {  	v3 =	vand.u32 $0x7, v3;
	v4 =	vand.u32 $0xFFFFFFF0, v63  }
0x17f: {  	v3 =	vor.u32 v3, v4  }
0x180: {  	v4 =	vperm.xlane v3, v0;
	_ =	sdelay $0x1  }
0x181: {  	v3 =	vperm.xlane v3, v2;
	v4 =	vadd.s32 v1, v4;
	_ =	sdelay $0x1  }
0x182: {  	v3 =	vadd.s32 v1, v3;
	_ =	sdelay $0x1  }
0x183: {  	s17 =	simm.s32 $0xF100  }
0x184: {  	[tilespmem:s17], [sflag:$0x2] =	stream.indirect_vreg.gather [hbm4b:s2+s3], $0x80, v4, vm0, $0xb8;
	[tilespmem:$0x10100] =	vst v63  }
0x185: {  	s17 =	simm.s32 $0xF900  }
0x186: {  	[tilespmem:s17], [sflag:$0x2] =	stream.indirect_vreg.gather [hbm4b:s2+s3], $0x80, v3, vm0, $0xb8;
	[tilespmem:$0x10100] =	vst v63  }
0x187: {  	_ =	swait.ge [sflag:s8], $0x8000  }
0x188: {  	[sflag:s8] =	ssyncset.done $0x0  }
0x189: {  	s13 =	simm.s32 $0x100;
	s1 =	rddreg [dreg:$0xa];
	[sflag:s8] =	ssyncadd.s32 $0xFFFF8000  }
0x18a: {  	[hbm4b:s1+s3] =	stream.linear.scatter [tilespmem:s13], [sflag:$0x3], $0x8000, $0x38;
	[tilespmem:$0x10100] =	vst v63  }
0x18b: {  	_ =	swait.ge [sflag:s15], $0x8000  }
0x18c: {  	[sflag:s15] =	ssyncset.done $0x0  }
0x18d: {  	s13 =	rddreg [dreg:$0xb];
	[sflag:s15] =	ssyncadd.s32 $0xFFFF8000  }
0x18e: {  	[hbm4b:s13+s3] =	stream.linear.scatter [tilespmem:s0], [sflag:$0x4], $0x8000, $0x38;
	[tilespmem:$0x10100] =	vst v63  }
0x18f: {  	p0 =	sne.s32 s4, $0x1;
	_ =	swait.ge [sflag:s14], $0x8000  }
.Ltmp0:
0x190: {  	[sflag:s14] =	ssyncset.done $0x0;
	(pc) =	sbr.rel @p0 .LBB2_1-.Ltmp0, $4  }
0x191: {  	[sflag:s14] =	ssyncadd.s32 $0xFFFF8000  }
0x192: {  	_ =	swait.ge [sflag:s16], $0x8000  }
0x193: {  	[sflag:s16] =	ssyncset.done $0x0  }
0x194: {  	s4 =	sadd.s32 $0xFFFFFFFF, s4;
	[sflag:s16] =	ssyncadd.s32 $0xFFFF8000  }
0x195: {  	_ =	sfence.sel $0x180000  }
0x196: {  	[bflag:$0x0] =	sbarrier.arrive $0xFFFF  }
0x197: {  	_ =	strace $0x90000047  }
0x198: {  	s0 =	stileid.u32;
	[bflag:$0x2] =	sbarrier.arrive $0xFFFF  }
0x199: {  	p0 =	sne.s32 s0, $0x0;
	s0 =	rddreg [dreg:$0x3]  }
0x19a: {  	s0 =	sadd.s32 @!p0 $0x100000, s0  }
0x19b: {  	[sflag:s0] =	ssyncadd.tile.s32 @!p0 $0x1;
	_ =	shalt  }
.Lfunc_end2:
_tile_overlayer_lowered:
.L_overlay_start_2:
0x19c: {  	(tag) =	ssettag $0x2  }
0x19d: {  	s0 =	rddreg [dreg:$0x0];
	s2 =	stileid.u32  }
0x19e: {  	s1 =	rddreg [dreg:$0x1];
	p0 =	sne.s32 s2, $0x0  }
0x19f: {  	s3 =	rddreg [dreg:$0x2];
	[bflag:$0x3] =	sbarrier.arrive $0xFFFF;
	s2 =	simm.s32 @!p0 $0x1C05  }
0x1a0: {  	[timem:s3], [sflag:s2] =	dma.local @!p0 [hbm:s0], s1  }
0x1a1: {  	s0 =	simm.s32 @!p0 $0x5  }
0x1a2: {  	_ =	swait.ge @!p0 [sflag:s0], s1  }
0x1a3: {  	s1 =	ssub.s32 @!p0 $0x0, s1;
	[sflag:s0] =	ssyncset.done @!p0 $0x0  }
0x1a4: {  	[sflag:s0] =	ssyncadd.s32 @!p0 s1  }
0x1a5: {  	[bflag:$0x3] =	sbarrier.arrive $0xFFFF  }
0x1a6: {  	_ =	shalt  }

</sc_bundles>
